<compile_context>
chip_gen: v7x
topology: tpu7x:2x2x1
jax: 0.10.2.dev20260603
libtpu: 0.0.44.dev20260713+nightly
codegen_flags: <defaults>
</compile_context>

<pallas_src>
import functools

import jax
import jax.numpy as jnp
from jax import lax
from jax.experimental import pallas as pl
from jax.experimental.pallas import tpu as pltpu
from jax.experimental.pallas import tpu_sc as plsc

_NUM_CORES = 2
_NUM_SUBCORES = 16
_NUM_WORKERS = _NUM_CORES * _NUM_SUBCORES
_NB = 4
_NBUF = 4


def _make_gather(batch: int, hist: int, d: int):
    bp_worker = batch // _NUM_WORKERS
    n_steps = bp_worker // (_NBUF * _NB)
    mesh = plsc.VectorSubcoreMesh(
        core_axis_name="c",
        subcore_axis_name="s",
        num_cores=_NUM_CORES,
        num_subcores=_NUM_SUBCORES,
    )

    @functools.partial(
        pl.kernel,
        out_type=jax.ShapeDtypeStruct((batch, hist, d), jnp.float32),
        mesh=mesh,
        scratch_types=[
            pltpu.VMEM((bp_worker, hist), jnp.int32),
            pltpu.VMEM((_NBUF, _NB, hist, d), jnp.float32),
            pltpu.SemaphoreType.DMA((_NBUF,)),
            pltpu.SemaphoreType.DMA((_NBUF,)),
        ],
    )
    def gather_kernel(idx_hbm, table_hbm, out_hbm, idx_v, bufs, gsem, ssem):
        wid = lax.axis_index("s") * _NUM_CORES + lax.axis_index("c")
        batch0 = wid * bp_worker
        pltpu.sync_copy(idx_hbm.at[pl.ds(batch0, bp_worker)], idx_v)

        def step(g, carry):
            sbase = g * (_NBUF * _NB)
            for b in range(_NBUF):

                @pl.when(g > 0)
                def _():
                    pltpu.make_async_copy(
                        bufs.at[b], out_hbm.at[pl.ds(batch0, _NB)], ssem.at[b]
                    ).wait()

                for i in range(_NB):
                    row = sbase + b * _NB + i
                    pltpu.make_async_copy(
                        table_hbm.at[idx_v.at[row]], bufs.at[b, i], gsem.at[b]
                    ).start()
            for b in range(_NBUF):
                for i in range(_NB):
                    row = sbase + b * _NB + i
                    pltpu.make_async_copy(
                        table_hbm.at[idx_v.at[row]], bufs.at[b, i], gsem.at[b]
                    ).wait()
                pltpu.make_async_copy(
                    bufs.at[b],
                    out_hbm.at[pl.ds(batch0 + sbase + b * _NB, _NB)],
                    ssem.at[b],
                ).start()
            return carry

        lax.fori_loop(0, n_steps, step, 0)
        for b in range(_NBUF):
            pltpu.make_async_copy(
                bufs.at[b], out_hbm.at[pl.ds(batch0, _NB)], ssem.at[b]
            ).wait()

    return gather_kernel


def kernel(input, table):
    b, h = input.shape
    v, d = table.shape
    assert b % (_NUM_WORKERS * _NBUF * _NB) == 0
    idx = input.astype(jnp.int32)
    return _make_gather(b, h, d)(idx, table)

# --- scband reference (transcript-rebuilt; emitter-appended) ---
"""Pipeline reference for scband-word-embedding-17617955848709 (READ-ONLY COPY).

The authoritative reference and input builder live on the scoring server;
editing this copy changes nothing except your own understanding.
"""

import jax, jax.numpy as jnp
import numpy as np

NUM_VOCAB = 100000
EMBED_DIM = 128
PAD_ID = 0
BATCH = 4096
HIST_LEN = 50


def setup_inputs(seed: int = 0) -> dict:
    key = jax.random.key(seed)
    k_idx, k_tab = jax.random.split(key)
    indices = jax.random.randint(k_idx, (BATCH, HIST_LEN), 0, NUM_VOCAB, dtype=jnp.int64 if jax.config.jax_enable_x64 else jnp.int32)
    table = jax.random.normal(k_tab, (NUM_VOCAB, EMBED_DIM), dtype=jnp.float32)
    # padding_idx row is zero-initialized in nn.Embedding
    table = table.at[PAD_ID].set(0.0)
    return {"input": indices, "table": table}


def reference(input, table):
    # nn.Embedding forward: row gather from the embedding table
    embeded = jnp.take(table, input, axis=0)
    return embeded

if __name__ == "__main__":
    import jax
    _d = setup_inputs()
    print(jax.jit(kernel)(*tuple(_d.values())))

</pallas_src>

<mosaic_0001>
#map = affine_map<(d0, d1) -> (0, 0)>
#map1 = affine_map<(d0, d1) -> (0, 0, 0)>
module attributes {stable_mosaic.version = 14 : i64} {
  func.func @gather_kernel(%arg0: i32, %arg1: i32, %arg2: memref<4096x50xi32, #tpu.memory_space<hbm>>, %arg3: memref<100000x128xf32, #tpu.memory_space<hbm>>, %arg4: memref<4096x50x128xf32, #tpu.memory_space<hbm>>, %arg5: memref<128x50xi32, #tpu.memory_space<vmem>>, %arg6: memref<4x4x50x128xf32, #tpu.memory_space<vmem>>, %arg7: memref<4x!tpu.dma_semaphore, #tpu.memory_space<semaphore_mem>>, %arg8: memref<4x!tpu.dma_semaphore, #tpu.memory_space<semaphore_mem>>) attributes {dimension_semantics = [#tpu.dimension_semantics<core_parallel>, #tpu.dimension_semantics<subcore_parallel>], iteration_bounds = array<i64: 2, 16>, scalar_prefetch = 0 : i64, scratch_operands = 4 : i64, tpu.core_type = #tpu.core_type<sc_vector_subcore>, window_params = [{transform_indices = #map}, {transform_indices = #map}, {transform_indices = #map1}]} {
    %mul3A = arith.constant 2 : i32
    %mul3A_0 = arith.muli %arg1, %mul3A : i32
    %add3A = arith.addi %mul3A_0, %arg0 : i32
    %mul3A_1 = arith.constant 128 : i32
    %mul3A_2 = arith.muli %add3A, %mul3A_1 : i32
    "tpu.region"() ({
      %run_scoped3A = tpu.sem_alloc : memref<!tpu.dma_semaphore, #tpu.memory_space<semaphore_mem>>
      %dma_start3A = arith.constant 0 : i32
      %dma_start3A_87 = tpu.memref_slice %arg2[%mul3A_2, %dma_start3A] : memref<4096x50xi32, #tpu.memory_space<hbm>> -> memref<128x50xi32, #tpu.memory_space<hbm>>
      %dma_start3A_88 = arith.constant 0 : i32
      %dma_start3A_89 = tpu.memref_slice %arg2[%mul3A_2, %dma_start3A_88] : memref<4096x50xi32, #tpu.memory_space<hbm>> -> memref<128x50xi32, #tpu.memory_space<hbm>>
      tpu.enqueue_dma source(%dma_start3A_89 : memref<128x50xi32, #tpu.memory_space<hbm>>) target(%arg5 : memref<128x50xi32, #tpu.memory_space<vmem>>) target_semaphore(%run_scoped3A : memref<!tpu.dma_semaphore, #tpu.memory_space<semaphore_mem>>)
      %dma_wait3A_90 = arith.constant 0 : i32
      %dma_wait3A_91 = tpu.memref_slice %arg2[%mul3A_2, %dma_wait3A_90] : memref<4096x50xi32, #tpu.memory_space<hbm>> -> memref<128x50xi32, #tpu.memory_space<hbm>>
      %dma_wait3A_92 = arith.constant 0 : i32
      %dma_wait3A_93 = tpu.memref_slice %arg2[%mul3A_2, %dma_wait3A_92] : memref<4096x50xi32, #tpu.memory_space<hbm>> -> memref<128x50xi32, #tpu.memory_space<hbm>>
      tpu.wait_dma2 semaphore(%run_scoped3A : memref<!tpu.dma_semaphore, #tpu.memory_space<semaphore_mem>>) src(%dma_wait3A_93 : memref<128x50xi32, #tpu.memory_space<hbm>>) dst(%arg5 : memref<128x50xi32, #tpu.memory_space<vmem>>)
      tpu.yield
    }) : () -> ()
    %scan3A = arith.constant 0 : i32
    %scan3A_3 = arith.constant 0 : i32
    %scan3A_4 = arith.constant 8 : i32
    %scan3A_5 = arith.addi %scan3A_3, %scan3A_4 : i32
    %scan3A_6 = arith.constant 1 : i32
    scf.for %scan3A_87 = %scan3A_3 to %scan3A_5 step %scan3A_6  : i32 {
      %mul3A_88 = arith.constant 16 : i32
      %mul3A_89 = arith.muli %scan3A_87, %mul3A_88 : i32
      %gt3A = arith.constant 0 : i32
      %gt3A_90 = arith.cmpi sgt, %scan3A_87, %gt3A : i32
      %convert_element_type3A = arith.extui %gt3A_90 : i1 to i32
      %cond3A = arith.constant 0 : i32
      %cond3A_91 = arith.cmpi ne, %convert_element_type3A, %cond3A : i32
      scf.if %cond3A_91 {
        %dma_wait3A_806 = arith.constant 0 : i32
        %dma_wait3A_807 = arith.constant 0 : i32
        %dma_wait3A_808 = arith.constant 0 : i32
        %dma_wait3A_809 = arith.constant 0 : i32
        %dma_wait3A_810 = arith.constant 0 : i32
        %dma_wait3A_811 = tpu.memref_slice %arg6[%dma_wait3A_806, %dma_wait3A_808, %dma_wait3A_809, %dma_wait3A_810] : memref<4x4x50x128xf32, #tpu.memory_space<vmem>> -> memref<1x4x50x128xf32, #tpu.memory_space<vmem>>
        %dma_wait3A_812 = tpu.memref_squeeze %dma_wait3A_811 : memref<1x4x50x128xf32, #tpu.memory_space<vmem>> -> memref<4x50x128xf32, #tpu.memory_space<vmem>>
        %dma_wait3A_813 = arith.constant 0 : i32
        %dma_wait3A_814 = arith.constant 0 : i32
        %dma_wait3A_815 = tpu.memref_slice %arg4[%mul3A_2, %dma_wait3A_813, %dma_wait3A_814] : memref<4096x50x128xf32, #tpu.memory_space<hbm>> -> memref<4x50x128xf32, #tpu.memory_space<hbm>>
        %dma_wait3A_816 = tpu.memref_slice %arg8[%dma_wait3A_807] : memref<4x!tpu.dma_semaphore, #tpu.memory_space<semaphore_mem>> -> memref<1x!tpu.dma_semaphore, #tpu.memory_space<semaphore_mem>>
        %dma_wait3A_817 = tpu.memref_squeeze %dma_wait3A_816 : memref<1x!tpu.dma_semaphore, #tpu.memory_space<semaphore_mem>> -> memref<!tpu.dma_semaphore, #tpu.memory_space<semaphore_mem>>
        %dma_wait3A_818 = arith.constant 0 : i32
        %dma_wait3A_819 = arith.constant 0 : i32
        %dma_wait3A_820 = tpu.memref_slice %arg4[%mul3A_2, %dma_wait3A_818, %dma_wait3A_819] : memref<4096x50x128xf32, #tpu.memory_space<hbm>> -> memref<4x50x128xf32, #tpu.memory_space<hbm>>
        %dma_wait3A_821 = arith.constant 0 : i32
        %dma_wait3A_822 = arith.constant 0 : i32
        %dma_wait3A_823 = arith.constant 0 : i32
        %dma_wait3A_824 = tpu.memref_slice %arg6[%dma_wait3A_806, %dma_wait3A_821, %dma_wait3A_822, %dma_wait3A_823] : memref<4x4x50x128xf32, #tpu.memory_space<vmem>> -> memref<1x4x50x128xf32, #tpu.memory_space<vmem>>
        %dma_wait3A_825 = tpu.memref_squeeze %dma_wait3A_824 : memref<1x4x50x128xf32, #tpu.memory_space<vmem>> -> memref<4x50x128xf32, #tpu.memory_space<vmem>>
        tpu.wait_dma2 semaphore(%dma_wait3A_817 : memref<!tpu.dma_semaphore, #tpu.memory_space<semaphore_mem>>) src(%dma_wait3A_825 : memref<4x50x128xf32, #tpu.memory_space<vmem>>) dst(%dma_wait3A_820 : memref<4x50x128xf32, #tpu.memory_space<hbm>>)
      } else {
      }
      %add3A_92 = arith.constant 0 : i32
      %add3A_93 = arith.addi %mul3A_89, %add3A_92 : i32
      %add3A_94 = arith.constant 0 : i32
      %add3A_95 = arith.addi %add3A_93, %add3A_94 : i32
      %dma_start3A = arith.constant 0 : i32
      %dma_start3A_96 = arith.constant 0 : i32
      %dma_start3A_97 = arith.constant 0 : i32
      %dma_start3A_98 = arith.constant 0 : i32
      %dma_start3A_99 = arith.constant 0 : i32
      %dma_start3A_100 = tpu.memref_slice %arg6[%dma_start3A, %dma_start3A_96, %dma_start3A_98, %dma_start3A_99] : memref<4x4x50x128xf32, #tpu.memory_space<vmem>> -> memref<1x1x50x128xf32, #tpu.memory_space<vmem>>
      %dma_start3A_101 = tpu.memref_squeeze %dma_start3A_100 : memref<1x1x50x128xf32, #tpu.memory_space<vmem>> -> memref<50x128xf32, #tpu.memory_space<vmem>>
      %dma_start3A_102 = arith.constant 0 : i32
      %dma_start3A_103 = tpu.memref_slice %arg5[%add3A_95, %dma_start3A_102] : memref<128x50xi32, #tpu.memory_space<vmem>> -> memref<1x50xi32, #tpu.memory_space<vmem>>
      %dma_start3A_104 = tpu.memref_squeeze %dma_start3A_103 : memref<1x50xi32, #tpu.memory_space<vmem>> -> memref<50xi32, #tpu.memory_space<vmem>>
      %dma_start3A_105 = arith.constant 0 : i32
      %dma_start3A_106 = arith.constant 0 : i32
      %dma_start3A_107 = tpu.memref_slice %arg3[%dma_start3A_105, %dma_start3A_106] : memref<100000x128xf32, #tpu.memory_space<hbm>> -> memref<100000x128xf32, #tpu.memory_space<hbm>>
      %dma_start3A_108 = tpu.memref_slice %arg7[%dma_start3A_97] : memref<4x!tpu.dma_semaphore, #tpu.memory_space<semaphore_mem>> -> memref<1x!tpu.dma_semaphore, #tpu.memory_space<semaphore_mem>>
      %dma_start3A_109 = tpu.memref_squeeze %dma_start3A_108 : memref<1x!tpu.dma_semaphore, #tpu.memory_space<semaphore_mem>> -> memref<!tpu.dma_semaphore, #tpu.memory_space<semaphore_mem>>
      tpu.enqueue_indirect_dma source(%dma_start3A_107 : memref<100000x128xf32, #tpu.memory_space<hbm>>) target(%dma_start3A_101 : memref<50x128xf32, #tpu.memory_space<vmem>>) offsets(%dma_start3A_104 : memref<50xi32, #tpu.memory_space<vmem>>) semaphore(%dma_start3A_109 : memref<!tpu.dma_semaphore, #tpu.memory_space<semaphore_mem>>)
      %add3A_110 = arith.constant 0 : i32
      %add3A_111 = arith.addi %mul3A_89, %add3A_110 : i32
      %add3A_112 = arith.constant 1 : i32
      %add3A_113 = arith.addi %add3A_111, %add3A_112 : i32
      %dma_start3A_114 = arith.constant 0 : i32
      %dma_start3A_115 = arith.constant 1 : i32
      %dma_start3A_116 = arith.constant 0 : i32
      %dma_start3A_117 = arith.constant 0 : i32
      %dma_start3A_118 = arith.constant 0 : i32
      %dma_start3A_119 = tpu.memref_slice %arg6[%dma_start3A_114, %dma_start3A_115, %dma_start3A_117, %dma_start3A_118] : memref<4x4x50x128xf32, #tpu.memory_space<vmem>> -> memref<1x1x50x128xf32, #tpu.memory_space<vmem>>
      %dma_start3A_120 = tpu.memref_squeeze %dma_start3A_119 : memref<1x1x50x128xf32, #tpu.memory_space<vmem>> -> memref<50x128xf32, #tpu.memory_space<vmem>>
      %dma_start3A_121 = arith.constant 0 : i32
      %dma_start3A_122 = tpu.memref_slice %arg5[%add3A_113, %dma_start3A_121] : memref<128x50xi32, #tpu.memory_space<vmem>> -> memref<1x50xi32, #tpu.memory_space<vmem>>
      %dma_start3A_123 = tpu.memref_squeeze %dma_start3A_122 : memref<1x50xi32, #tpu.memory_space<vmem>> -> memref<50xi32, #tpu.memory_space<vmem>>
      %dma_start3A_124 = arith.constant 0 : i32
      %dma_start3A_125 = arith.constant 0 : i32
      %dma_start3A_126 = tpu.memref_slice %arg3[%dma_start3A_124, %dma_start3A_125] : memref<100000x128xf32, #tpu.memory_space<hbm>> -> memref<100000x128xf32, #tpu.memory_space<hbm>>
      %dma_start3A_127 = tpu.memref_slice %arg7[%dma_start3A_116] : memref<4x!tpu.dma_semaphore, #tpu.memory_space<semaphore_mem>> -> memref<1x!tpu.dma_semaphore, #tpu.memory_space<semaphore_mem>>
      %dma_start3A_128 = tpu.memref_squeeze %dma_start3A_127 : memref<1x!tpu.dma_semaphore, #tpu.memory_space<semaphore_mem>> -> memref<!tpu.dma_semaphore, #tpu.memory_space<semaphore_mem>>
      tpu.enqueue_indirect_dma source(%dma_start3A_126 : memref<100000x128xf32, #tpu.memory_space<hbm>>) target(%dma_start3A_120 : memref<50x128xf32, #tpu.memory_space<vmem>>) offsets(%dma_start3A_123 : memref<50xi32, #tpu.memory_space<vmem>>) semaphore(%dma_start3A_128 : memref<!tpu.dma_semaphore, #tpu.memory_space<semaphore_mem>>)
      %add3A_129 = arith.constant 0 : i32
      %add3A_130 = arith.addi %mul3A_89, %add3A_129 : i32
      %add3A_131 = arith.constant 2 : i32
      %add3A_132 = arith.addi %add3A_130, %add3A_131 : i32
      %dma_start3A_133 = arith.constant 0 : i32
      %dma_start3A_134 = arith.constant 2 : i32
      %dma_start3A_135 = arith.constant 0 : i32
      %dma_start3A_136 = arith.constant 0 : i32
      %dma_start3A_137 = arith.constant 0 : i32
      %dma_start3A_138 = tpu.memref_slice %arg6[%dma_start3A_133, %dma_start3A_134, %dma_start3A_136, %dma_start3A_137] : memref<4x4x50x128xf32, #tpu.memory_space<vmem>> -> memref<1x1x50x128xf32, #tpu.memory_space<vmem>>
      %dma_start3A_139 = tpu.memref_squeeze %dma_start3A_138 : memref<1x1x50x128xf32, #tpu.memory_space<vmem>> -> memref<50x128xf32, #tpu.memory_space<vmem>>
      %dma_start3A_140 = arith.constant 0 : i32
      %dma_start3A_141 = tpu.memref_slice %arg5[%add3A_132, %dma_start3A_140] : memref<128x50xi32, #tpu.memory_space<vmem>> -> memref<1x50xi32, #tpu.memory_space<vmem>>
      %dma_start3A_142 = tpu.memref_squeeze %dma_start3A_141 : memref<1x50xi32, #tpu.memory_space<vmem>> -> memref<50xi32, #tpu.memory_space<vmem>>
      %dma_start3A_143 = arith.constant 0 : i32
      %dma_start3A_144 = arith.constant 0 : i32
      %dma_start3A_145 = tpu.memref_slice %arg3[%dma_start3A_143, %dma_start3A_144] : memref<100000x128xf32, #tpu.memory_space<hbm>> -> memref<100000x128xf32, #tpu.memory_space<hbm>>
      %dma_start3A_146 = tpu.memref_slice %arg7[%dma_start3A_135] : memref<4x!tpu.dma_semaphore, #tpu.memory_space<semaphore_mem>> -> memref<1x!tpu.dma_semaphore, #tpu.memory_space<semaphore_mem>>
      %dma_start3A_147 = tpu.memref_squeeze %dma_start3A_146 : memref<1x!tpu.dma_semaphore, #tpu.memory_space<semaphore_mem>> -> memref<!tpu.dma_semaphore, #tpu.memory_space<semaphore_mem>>
      tpu.enqueue_indirect_dma source(%dma_start3A_145 : memref<100000x128xf32, #tpu.memory_space<hbm>>) target(%dma_start3A_139 : memref<50x128xf32, #tpu.memory_space<vmem>>) offsets(%dma_start3A_142 : memref<50xi32, #tpu.memory_space<vmem>>) semaphore(%dma_start3A_147 : memref<!tpu.dma_semaphore, #tpu.memory_space<semaphore_mem>>)
      %add3A_148 = arith.constant 0 : i32
      %add3A_149 = arith.addi %mul3A_89, %add3A_148 : i32
      %add3A_150 = arith.constant 3 : i32
      %add3A_151 = arith.addi %add3A_149, %add3A_150 : i32
      %dma_start3A_152 = arith.constant 0 : i32
      %dma_start3A_153 = arith.constant 3 : i32
      %dma_start3A_154 = arith.constant 0 : i32
      %dma_start3A_155 = arith.constant 0 : i32
      %dma_start3A_156 = arith.constant 0 : i32
      %dma_start3A_157 = tpu.memref_slice %arg6[%dma_start3A_152, %dma_start3A_153, %dma_start3A_155, %dma_start3A_156] : memref<4x4x50x128xf32, #tpu.memory_space<vmem>> -> memref<1x1x50x128xf32, #tpu.memory_space<vmem>>
      %dma_start3A_158 = tpu.memref_squeeze %dma_start3A_157 : memref<1x1x50x128xf32, #tpu.memory_space<vmem>> -> memref<50x128xf32, #tpu.memory_space<vmem>>
      %dma_start3A_159 = arith.constant 0 : i32
      %dma_start3A_160 = tpu.memref_slice %arg5[%add3A_151, %dma_start3A_159] : memref<128x50xi32, #tpu.memory_space<vmem>> -> memref<1x50xi32, #tpu.memory_space<vmem>>
      %dma_start3A_161 = tpu.memref_squeeze %dma_start3A_160 : memref<1x50xi32, #tpu.memory_space<vmem>> -> memref<50xi32, #tpu.memory_space<vmem>>
      %dma_start3A_162 = arith.constant 0 : i32
      %dma_start3A_163 = arith.constant 0 : i32
      %dma_start3A_164 = tpu.memref_slice %arg3[%dma_start3A_162, %dma_start3A_163] : memref<100000x128xf32, #tpu.memory_space<hbm>> -> memref<100000x128xf32, #tpu.memory_space<hbm>>
      %dma_start3A_165 = tpu.memref_slice %arg7[%dma_start3A_154] : memref<4x!tpu.dma_semaphore, #tpu.memory_space<semaphore_mem>> -> memref<1x!tpu.dma_semaphore, #tpu.memory_space<semaphore_mem>>
      %dma_start3A_166 = tpu.memref_squeeze %dma_start3A_165 : memref<1x!tpu.dma_semaphore, #tpu.memory_space<semaphore_mem>> -> memref<!tpu.dma_semaphore, #tpu.memory_space<semaphore_mem>>
      tpu.enqueue_indirect_dma source(%dma_start3A_164 : memref<100000x128xf32, #tpu.memory_space<hbm>>) target(%dma_start3A_158 : memref<50x128xf32, #tpu.memory_space<vmem>>) offsets(%dma_start3A_161 : memref<50xi32, #tpu.memory_space<vmem>>) semaphore(%dma_start3A_166 : memref<!tpu.dma_semaphore, #tpu.memory_space<semaphore_mem>>)
      %gt3A_167 = arith.constant 0 : i32
      %gt3A_168 = arith.cmpi sgt, %scan3A_87, %gt3A_167 : i32
      %convert_element_type3A_169 = arith.extui %gt3A_168 : i1 to i32
      %cond3A_170 = arith.constant 0 : i32
      %cond3A_171 = arith.cmpi ne, %convert_element_type3A_169, %cond3A_170 : i32
      scf.if %cond3A_171 {
        %dma_wait3A_806 = arith.constant 1 : i32
        %dma_wait3A_807 = arith.constant 1 : i32
        %dma_wait3A_808 = arith.constant 0 : i32
        %dma_wait3A_809 = arith.constant 0 : i32
        %dma_wait3A_810 = arith.constant 0 : i32
        %dma_wait3A_811 = tpu.memref_slice %arg6[%dma_wait3A_806, %dma_wait3A_808, %dma_wait3A_809, %dma_wait3A_810] : memref<4x4x50x128xf32, #tpu.memory_space<vmem>> -> memref<1x4x50x128xf32, #tpu.memory_space<vmem>>
        %dma_wait3A_812 = tpu.memref_squeeze %dma_wait3A_811 : memref<1x4x50x128xf32, #tpu.memory_space<vmem>> -> memref<4x50x128xf32, #tpu.memory_space<vmem>>
        %dma_wait3A_813 = arith.constant 0 : i32
        %dma_wait3A_814 = arith.constant 0 : i32
        %dma_wait3A_815 = tpu.memref_slice %arg4[%mul3A_2, %dma_wait3A_813, %dma_wait3A_814] : memref<4096x50x128xf32, #tpu.memory_space<hbm>> -> memref<4x50x128xf32, #tpu.memory_space<hbm>>
        %dma_wait3A_816 = tpu.memref_slice %arg8[%dma_wait3A_807] : memref<4x!tpu.dma_semaphore, #tpu.memory_space<semaphore_mem>> -> memref<1x!tpu.dma_semaphore, #tpu.memory_space<semaphore_mem>>
        %dma_wait3A_817 = tpu.memref_squeeze %dma_wait3A_816 : memref<1x!tpu.dma_semaphore, #tpu.memory_space<semaphore_mem>> -> memref<!tpu.dma_semaphore, #tpu.memory_space<semaphore_mem>>
        %dma_wait3A_818 = arith.constant 0 : i32
        %dma_wait3A_819 = arith.constant 0 : i32
        %dma_wait3A_820 = tpu.memref_slice %arg4[%mul3A_2, %dma_wait3A_818, %dma_wait3A_819] : memref<4096x50x128xf32, #tpu.memory_space<hbm>> -> memref<4x50x128xf32, #tpu.memory_space<hbm>>
        %dma_wait3A_821 = arith.constant 0 : i32
        %dma_wait3A_822 = arith.constant 0 : i32
        %dma_wait3A_823 = arith.constant 0 : i32
        %dma_wait3A_824 = tpu.memref_slice %arg6[%dma_wait3A_806, %dma_wait3A_821, %dma_wait3A_822, %dma_wait3A_823] : memref<4x4x50x128xf32, #tpu.memory_space<vmem>> -> memref<1x4x50x128xf32, #tpu.memory_space<vmem>>
        %dma_wait3A_825 = tpu.memref_squeeze %dma_wait3A_824 : memref<1x4x50x128xf32, #tpu.memory_space<vmem>> -> memref<4x50x128xf32, #tpu.memory_space<vmem>>
        tpu.wait_dma2 semaphore(%dma_wait3A_817 : memref<!tpu.dma_semaphore, #tpu.memory_space<semaphore_mem>>) src(%dma_wait3A_825 : memref<4x50x128xf32, #tpu.memory_space<vmem>>) dst(%dma_wait3A_820 : memref<4x50x128xf32, #tpu.memory_space<hbm>>)
      } else {
      }
      %add3A_172 = arith.constant 4 : i32
      %add3A_173 = arith.addi %mul3A_89, %add3A_172 : i32
      %add3A_174 = arith.constant 0 : i32
      %add3A_175 = arith.addi %add3A_173, %add3A_174 : i32
      %dma_start3A_176 = arith.constant 1 : i32
      %dma_start3A_177 = arith.constant 0 : i32
      %dma_start3A_178 = arith.constant 1 : i32
      %dma_start3A_179 = arith.constant 0 : i32
      %dma_start3A_180 = arith.constant 0 : i32
      %dma_start3A_181 = tpu.memref_slice %arg6[%dma_start3A_176, %dma_start3A_177, %dma_start3A_179, %dma_start3A_180] : memref<4x4x50x128xf32, #tpu.memory_space<vmem>> -> memref<1x1x50x128xf32, #tpu.memory_space<vmem>>
      %dma_start3A_182 = tpu.memref_squeeze %dma_start3A_181 : memref<1x1x50x128xf32, #tpu.memory_space<vmem>> -> memref<50x128xf32, #tpu.memory_space<vmem>>
      %dma_start3A_183 = arith.constant 0 : i32
      %dma_start3A_184 = tpu.memref_slice %arg5[%add3A_175, %dma_start3A_183] : memref<128x50xi32, #tpu.memory_space<vmem>> -> memref<1x50xi32, #tpu.memory_space<vmem>>
      %dma_start3A_185 = tpu.memref_squeeze %dma_start3A_184 : memref<1x50xi32, #tpu.memory_space<vmem>> -> memref<50xi32, #tpu.memory_space<vmem>>
      %dma_start3A_186 = arith.constant 0 : i32
      %dma_start3A_187 = arith.constant 0 : i32
      %dma_start3A_188 = tpu.memref_slice %arg3[%dma_start3A_186, %dma_start3A_187] : memref<100000x128xf32, #tpu.memory_space<hbm>> -> memref<100000x128xf32, #tpu.memory_space<hbm>>
      %dma_start3A_189 = tpu.memref_slice %arg7[%dma_start3A_178] : memref<4x!tpu.dma_semaphore, #tpu.memory_space<semaphore_mem>> -> memref<1x!tpu.dma_semaphore, #tpu.memory_space<semaphore_mem>>
      %dma_start3A_190 = tpu.memref_squeeze %dma_start3A_189 : memref<1x!tpu.dma_semaphore, #tpu.memory_space<semaphore_mem>> -> memref<!tpu.dma_semaphore, #tpu.memory_space<semaphore_mem>>
      tpu.enqueue_indirect_dma source(%dma_start3A_188 : memref<100000x128xf32, #tpu.memory_space<hbm>>) target(%dma_start3A_182 : memref<50x128xf32, #tpu.memory_space<vmem>>) offsets(%dma_start3A_185 : memref<50xi32, #tpu.memory_space<vmem>>) semaphore(%dma_start3A_190 : memref<!tpu.dma_semaphore, #tpu.memory_space<semaphore_mem>>)
      %add3A_191 = arith.constant 4 : i32
      %add3A_192 = arith.addi %mul3A_89, %add3A_191 : i32
      %add3A_193 = arith.constant 1 : i32
      %add3A_194 = arith.addi %add3A_192, %add3A_193 : i32
      %dma_start3A_195 = arith.constant 1 : i32
      %dma_start3A_196 = arith.constant 1 : i32
      %dma_start3A_197 = arith.constant 1 : i32
      %dma_start3A_198 = arith.constant 0 : i32
      %dma_start3A_199 = arith.constant 0 : i32
      %dma_start3A_200 = tpu.memref_slice %arg6[%dma_start3A_195, %dma_start3A_196, %dma_start3A_198, %dma_start3A_199] : memref<4x4x50x128xf32, #tpu.memory_space<vmem>> -> memref<1x1x50x128xf32, #tpu.memory_space<vmem>>
      %dma_start3A_201 = tpu.memref_squeeze %dma_start3A_200 : memref<1x1x50x128xf32, #tpu.memory_space<vmem>> -> memref<50x128xf32, #tpu.memory_space<vmem>>
      %dma_start3A_202 = arith.constant 0 : i32
      %dma_start3A_203 = tpu.memref_slice %arg5[%add3A_194, %dma_start3A_202] : memref<128x50xi32, #tpu.memory_space<vmem>> -> memref<1x50xi32, #tpu.memory_space<vmem>>
      %dma_start3A_204 = tpu.memref_squeeze %dma_start3A_203 : memref<1x50xi32, #tpu.memory_space<vmem>> -> memref<50xi32, #tpu.memory_space<vmem>>
      %dma_start3A_205 = arith.constant 0 : i32
      %dma_start3A_206 = arith.constant 0 : i32
      %dma_start3A_207 = tpu.memref_slice %arg3[%dma_start3A_205, %dma_start3A_206] : memref<100000x128xf32, #tpu.memory_space<hbm>> -> memref<100000x128xf32, #tpu.memory_space<hbm>>
      %dma_start3A_208 = tpu.memref_slice %arg7[%dma_start3A_197] : memref<4x!tpu.dma_semaphore, #tpu.memory_space<semaphore_mem>> -> memref<1x!tpu.dma_semaphore, #tpu.memory_space<semaphore_mem>>
      %dma_start3A_209 = tpu.memref_squeeze %dma_start3A_208 : memref<1x!tpu.dma_semaphore, #tpu.memory_space<semaphore_mem>> -> memref<!tpu.dma_semaphore, #tpu.memory_space<semaphore_mem>>
      tpu.enqueue_indirect_dma source(%dma_start3A_207 : memref<100000x128xf32, #tpu.memory_space<hbm>>) target(%dma_start3A_201 : memref<50x128xf32, #tpu.memory_space<vmem>>) offsets(%dma_start3A_204 : memref<50xi32, #tpu.memory_space<vmem>>) semaphore(%dma_start3A_209 : memref<!tpu.dma_semaphore, #tpu.memory_space<semaphore_mem>>)
      %add3A_210 = arith.constant 4 : i32
      %add3A_211 = arith.addi %mul3A_89, %add3A_210 : i32
      %add3A_212 = arith.constant 2 : i32
      %add3A_213 = arith.addi %add3A_211, %add3A_212 : i32
      %dma_start3A_214 = arith.constant 1 : i32
      %dma_start3A_215 = arith.constant 2 : i32
      %dma_start3A_216 = arith.constant 1 : i32
      %dma_start3A_217 = arith.constant 0 : i32
      %dma_start3A_218 = arith.constant 0 : i32
      %dma_start3A_219 = tpu.memref_slice %arg6[%dma_start3A_214, %dma_start3A_215, %dma_start3A_217, %dma_start3A_218] : memref<4x4x50x128xf32, #tpu.memory_space<vmem>> -> memref<1x1x50x128xf32, #tpu.memory_space<vmem>>
      %dma_start3A_220 = tpu.memref_squeeze %dma_start3A_219 : memref<1x1x50x128xf32, #tpu.memory_space<vmem>> -> memref<50x128xf32, #tpu.memory_space<vmem>>
      %dma_start3A_221 = arith.constant 0 : i32
      %dma_start3A_222 = tpu.memref_slice %arg5[%add3A_213, %dma_start3A_221] : memref<128x50xi32, #tpu.memory_space<vmem>> -> memref<1x50xi32, #tpu.memory_space<vmem>>
      %dma_start3A_223 = tpu.memref_squeeze %dma_start3A_222 : memref<1x50xi32, #tpu.memory_space<vmem>> -> memref<50xi32, #tpu.memory_space<vmem>>
      %dma_start3A_224 = arith.constant 0 : i32
      %dma_start3A_225 = arith.constant 0 : i32
      %dma_start3A_226 = tpu.memref_slice %arg3[%dma_start3A_224, %dma_start3A_225] : memref<100000x128xf32, #tpu.memory_space<hbm>> -> memref<100000x128xf32, #tpu.memory_space<hbm>>
      %dma_start3A_227 = tpu.memref_slice %arg7[%dma_start3A_216] : memref<4x!tpu.dma_semaphore, #tpu.memory_space<semaphore_mem>> -> memref<1x!tpu.dma_semaphore, #tpu.memory_space<semaphore_mem>>
      %dma_start3A_228 = tpu.memref_squeeze %dma_start3A_227 : memref<1x!tpu.dma_semaphore, #tpu.memory_space<semaphore_mem>> -> memref<!tpu.dma_semaphore, #tpu.memory_space<semaphore_mem>>
      tpu.enqueue_indirect_dma source(%dma_start3A_226 : memref<100000x128xf32, #tpu.memory_space<hbm>>) target(%dma_start3A_220 : memref<50x128xf32, #tpu.memory_space<vmem>>) offsets(%dma_start3A_223 : memref<50xi32, #tpu.memory_space<vmem>>) semaphore(%dma_start3A_228 : memref<!tpu.dma_semaphore, #tpu.memory_space<semaphore_mem>>)
      %add3A_229 = arith.constant 4 : i32
      %add3A_230 = arith.addi %mul3A_89, %add3A_229 : i32
      %add3A_231 = arith.constant 3 : i32
      %add3A_232 = arith.addi %add3A_230, %add3A_231 : i32
      %dma_start3A_233 = arith.constant 1 : i32
      %dma_start3A_234 = arith.constant 3 : i32
      %dma_start3A_235 = arith.constant 1 : i32
      %dma_start3A_236 = arith.constant 0 : i32
      %dma_start3A_237 = arith.constant 0 : i32
      %dma_start3A_238 = tpu.memref_slice %arg6[%dma_start3A_233, %dma_start3A_234, %dma_start3A_236, %dma_start3A_237] : memref<4x4x50x128xf32, #tpu.memory_space<vmem>> -> memref<1x1x50x128xf32, #tpu.memory_space<vmem>>
      %dma_start3A_239 = tpu.memref_squeeze %dma_start3A_238 : memref<1x1x50x128xf32, #tpu.memory_space<vmem>> -> memref<50x128xf32, #tpu.memory_space<vmem>>
      %dma_start3A_240 = arith.constant 0 : i32
      %dma_start3A_241 = tpu.memref_slice %arg5[%add3A_232, %dma_start3A_240] : memref<128x50xi32, #tpu.memory_space<vmem>> -> memref<1x50xi32, #tpu.memory_space<vmem>>
      %dma_start3A_242 = tpu.memref_squeeze %dma_start3A_241 : memref<1x50xi32, #tpu.memory_space<vmem>> -> memref<50xi32, #tpu.memory_space<vmem>>
      %dma_start3A_243 = arith.constant 0 : i32
      %dma_start3A_244 = arith.constant 0 : i32
      %dma_start3A_245 = tpu.memref_slice %arg3[%dma_start3A_243, %dma_start3A_244] : memref<100000x128xf32, #tpu.memory_space<hbm>> -> memref<100000x128xf32, #tpu.memory_space<hbm>>
      %dma_start3A_246 = tpu.memref_slice %arg7[%dma_start3A_235] : memref<4x!tpu.dma_semaphore, #tpu.memory_space<semaphore_mem>> -> memref<1x!tpu.dma_semaphore, #tpu.memory_space<semaphore_mem>>
      %dma_start3A_247 = tpu.memref_squeeze %dma_start3A_246 : memref<1x!tpu.dma_semaphore, #tpu.memory_space<semaphore_mem>> -> memref<!tpu.dma_semaphore, #tpu.memory_space<semaphore_mem>>
      tpu.enqueue_indirect_dma source(%dma_start3A_245 : memref<100000x128xf32, #tpu.memory_space<hbm>>) target(%dma_start3A_239 : memref<50x128xf32, #tpu.memory_space<vmem>>) offsets(%dma_start3A_242 : memref<50xi32, #tpu.memory_space<vmem>>) semaphore(%dma_start3A_247 : memref<!tpu.dma_semaphore, #tpu.memory_space<semaphore_mem>>)
      %gt3A_248 = arith.constant 0 : i32
      %gt3A_249 = arith.cmpi sgt, %scan3A_87, %gt3A_248 : i32
      %convert_element_type3A_250 = arith.extui %gt3A_249 : i1 to i32
      %cond3A_251 = arith.constant 0 : i32
      %cond3A_252 = arith.cmpi ne, %convert_element_type3A_250, %cond3A_251 : i32
      scf.if %cond3A_252 {
        %dma_wait3A_806 = arith.constant 2 : i32
        %dma_wait3A_807 = arith.constant 2 : i32
        %dma_wait3A_808 = arith.constant 0 : i32
        %dma_wait3A_809 = arith.constant 0 : i32
        %dma_wait3A_810 = arith.constant 0 : i32
        %dma_wait3A_811 = tpu.memref_slice %arg6[%dma_wait3A_806, %dma_wait3A_808, %dma_wait3A_809, %dma_wait3A_810] : memref<4x4x50x128xf32, #tpu.memory_space<vmem>> -> memref<1x4x50x128xf32, #tpu.memory_space<vmem>>
        %dma_wait3A_812 = tpu.memref_squeeze %dma_wait3A_811 : memref<1x4x50x128xf32, #tpu.memory_space<vmem>> -> memref<4x50x128xf32, #tpu.memory_space<vmem>>
        %dma_wait3A_813 = arith.constant 0 : i32
        %dma_wait3A_814 = arith.constant 0 : i32
        %dma_wait3A_815 = tpu.memref_slice %arg4[%mul3A_2, %dma_wait3A_813, %dma_wait3A_814] : memref<4096x50x128xf32, #tpu.memory_space<hbm>> -> memref<4x50x128xf32, #tpu.memory_space<hbm>>
        %dma_wait3A_816 = tpu.memref_slice %arg8[%dma_wait3A_807] : memref<4x!tpu.dma_semaphore, #tpu.memory_space<semaphore_mem>> -> memref<1x!tpu.dma_semaphore, #tpu.memory_space<semaphore_mem>>
        %dma_wait3A_817 = tpu.memref_squeeze %dma_wait3A_816 : memref<1x!tpu.dma_semaphore, #tpu.memory_space<semaphore_mem>> -> memref<!tpu.dma_semaphore, #tpu.memory_space<semaphore_mem>>
        %dma_wait3A_818 = arith.constant 0 : i32
        %dma_wait3A_819 = arith.constant 0 : i32
        %dma_wait3A_820 = tpu.memref_slice %arg4[%mul3A_2, %dma_wait3A_818, %dma_wait3A_819] : memref<4096x50x128xf32, #tpu.memory_space<hbm>> -> memref<4x50x128xf32, #tpu.memory_space<hbm>>
        %dma_wait3A_821 = arith.constant 0 : i32
        %dma_wait3A_822 = arith.constant 0 : i32
        %dma_wait3A_823 = arith.constant 0 : i32
        %dma_wait3A_824 = tpu.memref_slice %arg6[%dma_wait3A_806, %dma_wait3A_821, %dma_wait3A_822, %dma_wait3A_823] : memref<4x4x50x128xf32, #tpu.memory_space<vmem>> -> memref<1x4x50x128xf32, #tpu.memory_space<vmem>>
        %dma_wait3A_825 = tpu.memref_squeeze %dma_wait3A_824 : memref<1x4x50x128xf32, #tpu.memory_space<vmem>> -> memref<4x50x128xf32, #tpu.memory_space<vmem>>
        tpu.wait_dma2 semaphore(%dma_wait3A_817 : memref<!tpu.dma_semaphore, #tpu.memory_space<semaphore_mem>>) src(%dma_wait3A_825 : memref<4x50x128xf32, #tpu.memory_space<vmem>>) dst(%dma_wait3A_820 : memref<4x50x128xf32, #tpu.memory_space<hbm>>)
      } else {
      }
      %add3A_253 = arith.constant 8 : i32
      %add3A_254 = arith.addi %mul3A_89, %add3A_253 : i32
      %add3A_255 = arith.constant 0 : i32
      %add3A_256 = arith.addi %add3A_254, %add3A_255 : i32
      %dma_start3A_257 = arith.constant 2 : i32
      %dma_start3A_258 = arith.constant 0 : i32
      %dma_start3A_259 = arith.constant 2 : i32
      %dma_start3A_260 = arith.constant 0 : i32
      %dma_start3A_261 = arith.constant 0 : i32
      %dma_start3A_262 = tpu.memref_slice %arg6[%dma_start3A_257, %dma_start3A_258, %dma_start3A_260, %dma_start3A_261] : memref<4x4x50x128xf32, #tpu.memory_space<vmem>> -> memref<1x1x50x128xf32, #tpu.memory_space<vmem>>
      %dma_start3A_263 = tpu.memref_squeeze %dma_start3A_262 : memref<1x1x50x128xf32, #tpu.memory_space<vmem>> -> memref<50x128xf32, #tpu.memory_space<vmem>>
      %dma_start3A_264 = arith.constant 0 : i32
      %dma_start3A_265 = tpu.memref_slice %arg5[%add3A_256, %dma_start3A_264] : memref<128x50xi32, #tpu.memory_space<vmem>> -> memref<1x50xi32, #tpu.memory_space<vmem>>
      %dma_start3A_266 = tpu.memref_squeeze %dma_start3A_265 : memref<1x50xi32, #tpu.memory_space<vmem>> -> memref<50xi32, #tpu.memory_space<vmem>>
      %dma_start3A_267 = arith.constant 0 : i32
      %dma_start3A_268 = arith.constant 0 : i32
      %dma_start3A_269 = tpu.memref_slice %arg3[%dma_start3A_267, %dma_start3A_268] : memref<100000x128xf32, #tpu.memory_space<hbm>> -> memref<100000x128xf32, #tpu.memory_space<hbm>>
      %dma_start3A_270 = tpu.memref_slice %arg7[%dma_start3A_259] : memref<4x!tpu.dma_semaphore, #tpu.memory_space<semaphore_mem>> -> memref<1x!tpu.dma_semaphore, #tpu.memory_space<semaphore_mem>>
      %dma_start3A_271 = tpu.memref_squeeze %dma_start3A_270 : memref<1x!tpu.dma_semaphore, #tpu.memory_space<semaphore_mem>> -> memref<!tpu.dma_semaphore, #tpu.memory_space<semaphore_mem>>
      tpu.enqueue_indirect_dma source(%dma_start3A_269 : memref<100000x128xf32, #tpu.memory_space<hbm>>) target(%dma_start3A_263 : memref<50x128xf32, #tpu.memory_space<vmem>>) offsets(%dma_start3A_266 : memref<50xi32, #tpu.memory_space<vmem>>) semaphore(%dma_start3A_271 : memref<!tpu.dma_semaphore, #tpu.memory_space<semaphore_mem>>)
      %add3A_272 = arith.constant 8 : i32
      %add3A_273 = arith.addi %mul3A_89, %add3A_272 : i32
      %add3A_274 = arith.constant 1 : i32
      %add3A_275 = arith.addi %add3A_273, %add3A_274 : i32
      %dma_start3A_276 = arith.constant 2 : i32
      %dma_start3A_277 = arith.constant 1 : i32
      %dma_start3A_278 = arith.constant 2 : i32
      %dma_start3A_279 = arith.constant 0 : i32
      %dma_start3A_280 = arith.constant 0 : i32
      %dma_start3A_281 = tpu.memref_slice %arg6[%dma_start3A_276, %dma_start3A_277, %dma_start3A_279, %dma_start3A_280] : memref<4x4x50x128xf32, #tpu.memory_space<vmem>> -> memref<1x1x50x128xf32, #tpu.memory_space<vmem>>
      %dma_start3A_282 = tpu.memref_squeeze %dma_start3A_281 : memref<1x1x50x128xf32, #tpu.memory_space<vmem>> -> memref<50x128xf32, #tpu.memory_space<vmem>>
      %dma_start3A_283 = arith.constant 0 : i32
      %dma_start3A_284 = tpu.memref_slice %arg5[%add3A_275, %dma_start3A_283] : memref<128x50xi32, #tpu.memory_space<vmem>> -> memref<1x50xi32, #tpu.memory_space<vmem>>
      %dma_start3A_285 = tpu.memref_squeeze %dma_start3A_284 : memref<1x50xi32, #tpu.memory_space<vmem>> -> memref<50xi32, #tpu.memory_space<vmem>>
      %dma_start3A_286 = arith.constant 0 : i32
      %dma_start3A_287 = arith.constant 0 : i32
      %dma_start3A_288 = tpu.memref_slice %arg3[%dma_start3A_286, %dma_start3A_287] : memref<100000x128xf32, #tpu.memory_space<hbm>> -> memref<100000x128xf32, #tpu.memory_space<hbm>>
      %dma_start3A_289 = tpu.memref_slice %arg7[%dma_start3A_278] : memref<4x!tpu.dma_semaphore, #tpu.memory_space<semaphore_mem>> -> memref<1x!tpu.dma_semaphore, #tpu.memory_space<semaphore_mem>>
      %dma_start3A_290 = tpu.memref_squeeze %dma_start3A_289 : memref<1x!tpu.dma_semaphore, #tpu.memory_space<semaphore_mem>> -> memref<!tpu.dma_semaphore, #tpu.memory_space<semaphore_mem>>
      tpu.enqueue_indirect_dma source(%dma_start3A_288 : memref<100000x128xf32, #tpu.memory_space<hbm>>) target(%dma_start3A_282 : memref<50x128xf32, #tpu.memory_space<vmem>>) offsets(%dma_start3A_285 : memref<50xi32, #tpu.memory_space<vmem>>) semaphore(%dma_start3A_290 : memref<!tpu.dma_semaphore, #tpu.memory_space<semaphore_mem>>)
      %add3A_291 = arith.constant 8 : i32
      %add3A_292 = arith.addi %mul3A_89, %add3A_291 : i32
      %add3A_293 = arith.constant 2 : i32
      %add3A_294 = arith.addi %add3A_292, %add3A_293 : i32
      %dma_start3A_295 = arith.constant 2 : i32
      %dma_start3A_296 = arith.constant 2 : i32
      %dma_start3A_297 = arith.constant 2 : i32
      %dma_start3A_298 = arith.constant 0 : i32
      %dma_start3A_299 = arith.constant 0 : i32
      %dma_start3A_300 = tpu.memref_slice %arg6[%dma_start3A_295, %dma_start3A_296, %dma_start3A_298, %dma_start3A_299] : memref<4x4x50x128xf32, #tpu.memory_space<vmem>> -> memref<1x1x50x128xf32, #tpu.memory_space<vmem>>
      %dma_start3A_301 = tpu.memref_squeeze %dma_start3A_300 : memref<1x1x50x128xf32, #tpu.memory_space<vmem>> -> memref<50x128xf32, #tpu.memory_space<vmem>>
      %dma_start3A_302 = arith.constant 0 : i32
      %dma_start3A_303 = tpu.memref_slice %arg5[%add3A_294, %dma_start3A_302] : memref<128x50xi32, #tpu.memory_space<vmem>> -> memref<1x50xi32, #tpu.memory_space<vmem>>
      %dma_start3A_304 = tpu.memref_squeeze %dma_start3A_303 : memref<1x50xi32, #tpu.memory_space<vmem>> -> memref<50xi32, #tpu.memory_space<vmem>>
      %dma_start3A_305 = arith.constant 0 : i32
      %dma_start3A_306 = arith.constant 0 : i32
      %dma_start3A_307 = tpu.memref_slice %arg3[%dma_start3A_305, %dma_start3A_306] : memref<100000x128xf32, #tpu.memory_space<hbm>> -> memref<100000x128xf32, #tpu.memory_space<hbm>>
      %dma_start3A_308 = tpu.memref_slice %arg7[%dma_start3A_297] : memref<4x!tpu.dma_semaphore, #tpu.memory_space<semaphore_mem>> -> memref<1x!tpu.dma_semaphore, #tpu.memory_space<semaphore_mem>>
      %dma_start3A_309 = tpu.memref_squeeze %dma_start3A_308 : memref<1x!tpu.dma_semaphore, #tpu.memory_space<semaphore_mem>> -> memref<!tpu.dma_semaphore, #tpu.memory_space<semaphore_mem>>
      tpu.enqueue_indirect_dma source(%dma_start3A_307 : memref<100000x128xf32, #tpu.memory_space<hbm>>) target(%dma_start3A_301 : memref<50x128xf32, #tpu.memory_space<vmem>>) offsets(%dma_start3A_304 : memref<50xi32, #tpu.memory_space<vmem>>) semaphore(%dma_start3A_309 : memref<!tpu.dma_semaphore, #tpu.memory_space<semaphore_mem>>)
      %add3A_310 = arith.constant 8 : i32
      %add3A_311 = arith.addi %mul3A_89, %add3A_310 : i32
      %add3A_312 = arith.constant 3 : i32
      %add3A_313 = arith.addi %add3A_311, %add3A_312 : i32
      %dma_start3A_314 = arith.constant 2 : i32
      %dma_start3A_315 = arith.constant 3 : i32
      %dma_start3A_316 = arith.constant 2 : i32
      %dma_start3A_317 = arith.constant 0 : i32
      %dma_start3A_318 = arith.constant 0 : i32
      %dma_start3A_319 = tpu.memref_slice %arg6[%dma_start3A_314, %dma_start3A_315, %dma_start3A_317, %dma_start3A_318] : memref<4x4x50x128xf32, #tpu.memory_space<vmem>> -> memref<1x1x50x128xf32, #tpu.memory_space<vmem>>
      %dma_start3A_320 = tpu.memref_squeeze %dma_start3A_319 : memref<1x1x50x128xf32, #tpu.memory_space<vmem>> -> memref<50x128xf32, #tpu.memory_space<vmem>>
      %dma_start3A_321 = arith.constant 0 : i32
      %dma_start3A_322 = tpu.memref_slice %arg5[%add3A_313, %dma_start3A_321] : memref<128x50xi32, #tpu.memory_space<vmem>> -> memref<1x50xi32, #tpu.memory_space<vmem>>
      %dma_start3A_323 = tpu.memref_squeeze %dma_start3A_322 : memref<1x50xi32, #tpu.memory_space<vmem>> -> memref<50xi32, #tpu.memory_space<vmem>>
      %dma_start3A_324 = arith.constant 0 : i32
      %dma_start3A_325 = arith.constant 0 : i32
      %dma_start3A_326 = tpu.memref_slice %arg3[%dma_start3A_324, %dma_start3A_325] : memref<100000x128xf32, #tpu.memory_space<hbm>> -> memref<100000x128xf32, #tpu.memory_space<hbm>>
      %dma_start3A_327 = tpu.memref_slice %arg7[%dma_start3A_316] : memref<4x!tpu.dma_semaphore, #tpu.memory_space<semaphore_mem>> -> memref<1x!tpu.dma_semaphore, #tpu.memory_space<semaphore_mem>>
      %dma_start3A_328 = tpu.memref_squeeze %dma_start3A_327 : memref<1x!tpu.dma_semaphore, #tpu.memory_space<semaphore_mem>> -> memref<!tpu.dma_semaphore, #tpu.memory_space<semaphore_mem>>
      tpu.enqueue_indirect_dma source(%dma_start3A_326 : memref<100000x128xf32, #tpu.memory_space<hbm>>) target(%dma_start3A_320 : memref<50x128xf32, #tpu.memory_space<vmem>>) offsets(%dma_start3A_323 : memref<50xi32, #tpu.memory_space<vmem>>) semaphore(%dma_start3A_328 : memref<!tpu.dma_semaphore, #tpu.memory_space<semaphore_mem>>)
      %gt3A_329 = arith.constant 0 : i32
      %gt3A_330 = arith.cmpi sgt, %scan3A_87, %gt3A_329 : i32
      %convert_element_type3A_331 = arith.extui %gt3A_330 : i1 to i32
      %cond3A_332 = arith.constant 0 : i32
      %cond3A_333 = arith.cmpi ne, %convert_element_type3A_331, %cond3A_332 : i32
      scf.if %cond3A_333 {
        %dma_wait3A_806 = arith.constant 3 : i32
        %dma_wait3A_807 = arith.constant 3 : i32
        %dma_wait3A_808 = arith.constant 0 : i32
        %dma_wait3A_809 = arith.constant 0 : i32
        %dma_wait3A_810 = arith.constant 0 : i32
        %dma_wait3A_811 = tpu.memref_slice %arg6[%dma_wait3A_806, %dma_wait3A_808, %dma_wait3A_809, %dma_wait3A_810] : memref<4x4x50x128xf32, #tpu.memory_space<vmem>> -> memref<1x4x50x128xf32, #tpu.memory_space<vmem>>
        %dma_wait3A_812 = tpu.memref_squeeze %dma_wait3A_811 : memref<1x4x50x128xf32, #tpu.memory_space<vmem>> -> memref<4x50x128xf32, #tpu.memory_space<vmem>>
        %dma_wait3A_813 = arith.constant 0 : i32
        %dma_wait3A_814 = arith.constant 0 : i32
        %dma_wait3A_815 = tpu.memref_slice %arg4[%mul3A_2, %dma_wait3A_813, %dma_wait3A_814] : memref<4096x50x128xf32, #tpu.memory_space<hbm>> -> memref<4x50x128xf32, #tpu.memory_space<hbm>>
        %dma_wait3A_816 = tpu.memref_slice %arg8[%dma_wait3A_807] : memref<4x!tpu.dma_semaphore, #tpu.memory_space<semaphore_mem>> -> memref<1x!tpu.dma_semaphore, #tpu.memory_space<semaphore_mem>>
        %dma_wait3A_817 = tpu.memref_squeeze %dma_wait3A_816 : memref<1x!tpu.dma_semaphore, #tpu.memory_space<semaphore_mem>> -> memref<!tpu.dma_semaphore, #tpu.memory_space<semaphore_mem>>
        %dma_wait3A_818 = arith.constant 0 : i32
        %dma_wait3A_819 = arith.constant 0 : i32
        %dma_wait3A_820 = tpu.memref_slice %arg4[%mul3A_2, %dma_wait3A_818, %dma_wait3A_819] : memref<4096x50x128xf32, #tpu.memory_space<hbm>> -> memref<4x50x128xf32, #tpu.memory_space<hbm>>
        %dma_wait3A_821 = arith.constant 0 : i32
        %dma_wait3A_822 = arith.constant 0 : i32
        %dma_wait3A_823 = arith.constant 0 : i32
        %dma_wait3A_824 = tpu.memref_slice %arg6[%dma_wait3A_806, %dma_wait3A_821, %dma_wait3A_822, %dma_wait3A_823] : memref<4x4x50x128xf32, #tpu.memory_space<vmem>> -> memref<1x4x50x128xf32, #tpu.memory_space<vmem>>
        %dma_wait3A_825 = tpu.memref_squeeze %dma_wait3A_824 : memref<1x4x50x128xf32, #tpu.memory_space<vmem>> -> memref<4x50x128xf32, #tpu.memory_space<vmem>>
        tpu.wait_dma2 semaphore(%dma_wait3A_817 : memref<!tpu.dma_semaphore, #tpu.memory_space<semaphore_mem>>) src(%dma_wait3A_825 : memref<4x50x128xf32, #tpu.memory_space<vmem>>) dst(%dma_wait3A_820 : memref<4x50x128xf32, #tpu.memory_space<hbm>>)
      } else {
      }
      %add3A_334 = arith.constant 12 : i32
      %add3A_335 = arith.addi %mul3A_89, %add3A_334 : i32
      %add3A_336 = arith.constant 0 : i32
      %add3A_337 = arith.addi %add3A_335, %add3A_336 : i32
      %dma_start3A_338 = arith.constant 3 : i32
      %dma_start3A_339 = arith.constant 0 : i32
      %dma_start3A_340 = arith.constant 3 : i32
      %dma_start3A_341 = arith.constant 0 : i32
      %dma_start3A_342 = arith.constant 0 : i32
      %dma_start3A_343 = tpu.memref_slice %arg6[%dma_start3A_338, %dma_start3A_339, %dma_start3A_341, %dma_start3A_342] : memref<4x4x50x128xf32, #tpu.memory_space<vmem>> -> memref<1x1x50x128xf32, #tpu.memory_space<vmem>>
      %dma_start3A_344 = tpu.memref_squeeze %dma_start3A_343 : memref<1x1x50x128xf32, #tpu.memory_space<vmem>> -> memref<50x128xf32, #tpu.memory_space<vmem>>
      %dma_start3A_345 = arith.constant 0 : i32
      %dma_start3A_346 = tpu.memref_slice %arg5[%add3A_337, %dma_start3A_345] : memref<128x50xi32, #tpu.memory_space<vmem>> -> memref<1x50xi32, #tpu.memory_space<vmem>>
      %dma_start3A_347 = tpu.memref_squeeze %dma_start3A_346 : memref<1x50xi32, #tpu.memory_space<vmem>> -> memref<50xi32, #tpu.memory_space<vmem>>
      %dma_start3A_348 = arith.constant 0 : i32
      %dma_start3A_349 = arith.constant 0 : i32
      %dma_start3A_350 = tpu.memref_slice %arg3[%dma_start3A_348, %dma_start3A_349] : memref<100000x128xf32, #tpu.memory_space<hbm>> -> memref<100000x128xf32, #tpu.memory_space<hbm>>
      %dma_start3A_351 = tpu.memref_slice %arg7[%dma_start3A_340] : memref<4x!tpu.dma_semaphore, #tpu.memory_space<semaphore_mem>> -> memref<1x!tpu.dma_semaphore, #tpu.memory_space<semaphore_mem>>
      %dma_start3A_352 = tpu.memref_squeeze %dma_start3A_351 : memref<1x!tpu.dma_semaphore, #tpu.memory_space<semaphore_mem>> -> memref<!tpu.dma_semaphore, #tpu.memory_space<semaphore_mem>>
      tpu.enqueue_indirect_dma source(%dma_start3A_350 : memref<100000x128xf32, #tpu.memory_space<hbm>>) target(%dma_start3A_344 : memref<50x128xf32, #tpu.memory_space<vmem>>) offsets(%dma_start3A_347 : memref<50xi32, #tpu.memory_space<vmem>>) semaphore(%dma_start3A_352 : memref<!tpu.dma_semaphore, #tpu.memory_space<semaphore_mem>>)
      %add3A_353 = arith.constant 12 : i32
      %add3A_354 = arith.addi %mul3A_89, %add3A_353 : i32
      %add3A_355 = arith.constant 1 : i32
      %add3A_356 = arith.addi %add3A_354, %add3A_355 : i32
      %dma_start3A_357 = arith.constant 3 : i32
      %dma_start3A_358 = arith.constant 1 : i32
      %dma_start3A_359 = arith.constant 3 : i32
      %dma_start3A_360 = arith.constant 0 : i32
      %dma_start3A_361 = arith.constant 0 : i32
      %dma_start3A_362 = tpu.memref_slice %arg6[%dma_start3A_357, %dma_start3A_358, %dma_start3A_360, %dma_start3A_361] : memref<4x4x50x128xf32, #tpu.memory_space<vmem>> -> memref<1x1x50x128xf32, #tpu.memory_space<vmem>>
      %dma_start3A_363 = tpu.memref_squeeze %dma_start3A_362 : memref<1x1x50x128xf32, #tpu.memory_space<vmem>> -> memref<50x128xf32, #tpu.memory_space<vmem>>
      %dma_start3A_364 = arith.constant 0 : i32
      %dma_start3A_365 = tpu.memref_slice %arg5[%add3A_356, %dma_start3A_364] : memref<128x50xi32, #tpu.memory_space<vmem>> -> memref<1x50xi32, #tpu.memory_space<vmem>>
      %dma_start3A_366 = tpu.memref_squeeze %dma_start3A_365 : memref<1x50xi32, #tpu.memory_space<vmem>> -> memref<50xi32, #tpu.memory_space<vmem>>
      %dma_start3A_367 = arith.constant 0 : i32
      %dma_start3A_368 = arith.constant 0 : i32
      %dma_start3A_369 = tpu.memref_slice %arg3[%dma_start3A_367, %dma_start3A_368] : memref<100000x128xf32, #tpu.memory_space<hbm>> -> memref<100000x128xf32, #tpu.memory_space<hbm>>
      %dma_start3A_370 = tpu.memref_slice %arg7[%dma_start3A_359] : memref<4x!tpu.dma_semaphore, #tpu.memory_space<semaphore_mem>> -> memref<1x!tpu.dma_semaphore, #tpu.memory_space<semaphore_mem>>
      %dma_start3A_371 = tpu.memref_squeeze %dma_start3A_370 : memref<1x!tpu.dma_semaphore, #tpu.memory_space<semaphore_mem>> -> memref<!tpu.dma_semaphore, #tpu.memory_space<semaphore_mem>>
      tpu.enqueue_indirect_dma source(%dma_start3A_369 : memref<100000x128xf32, #tpu.memory_space<hbm>>) target(%dma_start3A_363 : memref<50x128xf32, #tpu.memory_space<vmem>>) offsets(%dma_start3A_366 : memref<50xi32, #tpu.memory_space<vmem>>) semaphore(%dma_start3A_371 : memref<!tpu.dma_semaphore, #tpu.memory_space<semaphore_mem>>)
      %add3A_372 = arith.constant 12 : i32
      %add3A_373 = arith.addi %mul3A_89, %add3A_372 : i32
      %add3A_374 = arith.constant 2 : i32
      %add3A_375 = arith.addi %add3A_373, %add3A_374 : i32
      %dma_start3A_376 = arith.constant 3 : i32
      %dma_start3A_377 = arith.constant 2 : i32
      %dma_start3A_378 = arith.constant 3 : i32
      %dma_start3A_379 = arith.constant 0 : i32
      %dma_start3A_380 = arith.constant 0 : i32
      %dma_start3A_381 = tpu.memref_slice %arg6[%dma_start3A_376, %dma_start3A_377, %dma_start3A_379, %dma_start3A_380] : memref<4x4x50x128xf32, #tpu.memory_space<vmem>> -> memref<1x1x50x128xf32, #tpu.memory_space<vmem>>
      %dma_start3A_382 = tpu.memref_squeeze %dma_start3A_381 : memref<1x1x50x128xf32, #tpu.memory_space<vmem>> -> memref<50x128xf32, #tpu.memory_space<vmem>>
      %dma_start3A_383 = arith.constant 0 : i32
      %dma_start3A_384 = tpu.memref_slice %arg5[%add3A_375, %dma_start3A_383] : memref<128x50xi32, #tpu.memory_space<vmem>> -> memref<1x50xi32, #tpu.memory_space<vmem>>
      %dma_start3A_385 = tpu.memref_squeeze %dma_start3A_384 : memref<1x50xi32, #tpu.memory_space<vmem>> -> memref<50xi32, #tpu.memory_space<vmem>>
      %dma_start3A_386 = arith.constant 0 : i32
      %dma_start3A_387 = arith.constant 0 : i32
      %dma_start3A_388 = tpu.memref_slice %arg3[%dma_start3A_386, %dma_start3A_387] : memref<100000x128xf32, #tpu.memory_space<hbm>> -> memref<100000x128xf32, #tpu.memory_space<hbm>>
      %dma_start3A_389 = tpu.memref_slice %arg7[%dma_start3A_378] : memref<4x!tpu.dma_semaphore, #tpu.memory_space<semaphore_mem>> -> memref<1x!tpu.dma_semaphore, #tpu.memory_space<semaphore_mem>>
      %dma_start3A_390 = tpu.memref_squeeze %dma_start3A_389 : memref<1x!tpu.dma_semaphore, #tpu.memory_space<semaphore_mem>> -> memref<!tpu.dma_semaphore, #tpu.memory_space<semaphore_mem>>
      tpu.enqueue_indirect_dma source(%dma_start3A_388 : memref<100000x128xf32, #tpu.memory_space<hbm>>) target(%dma_start3A_382 : memref<50x128xf32, #tpu.memory_space<vmem>>) offsets(%dma_start3A_385 : memref<50xi32, #tpu.memory_space<vmem>>) semaphore(%dma_start3A_390 : memref<!tpu.dma_semaphore, #tpu.memory_space<semaphore_mem>>)
      %add3A_391 = arith.constant 12 : i32
      %add3A_392 = arith.addi %mul3A_89, %add3A_391 : i32
      %add3A_393 = arith.constant 3 : i32
      %add3A_394 = arith.addi %add3A_392, %add3A_393 : i32
      %dma_start3A_395 = arith.constant 3 : i32
      %dma_start3A_396 = arith.constant 3 : i32
      %dma_start3A_397 = arith.constant 3 : i32
      %dma_start3A_398 = arith.constant 0 : i32
      %dma_start3A_399 = arith.constant 0 : i32
      %dma_start3A_400 = tpu.memref_slice %arg6[%dma_start3A_395, %dma_start3A_396, %dma_start3A_398, %dma_start3A_399] : memref<4x4x50x128xf32, #tpu.memory_space<vmem>> -> memref<1x1x50x128xf32, #tpu.memory_space<vmem>>
      %dma_start3A_401 = tpu.memref_squeeze %dma_start3A_400 : memref<1x1x50x128xf32, #tpu.memory_space<vmem>> -> memref<50x128xf32, #tpu.memory_space<vmem>>
      %dma_start3A_402 = arith.constant 0 : i32
      %dma_start3A_403 = tpu.memref_slice %arg5[%add3A_394, %dma_start3A_402] : memref<128x50xi32, #tpu.memory_space<vmem>> -> memref<1x50xi32, #tpu.memory_space<vmem>>
      %dma_start3A_404 = tpu.memref_squeeze %dma_start3A_403 : memref<1x50xi32, #tpu.memory_space<vmem>> -> memref<50xi32, #tpu.memory_space<vmem>>
      %dma_start3A_405 = arith.constant 0 : i32
      %dma_start3A_406 = arith.constant 0 : i32
      %dma_start3A_407 = tpu.memref_slice %arg3[%dma_start3A_405, %dma_start3A_406] : memref<100000x128xf32, #tpu.memory_space<hbm>> -> memref<100000x128xf32, #tpu.memory_space<hbm>>
      %dma_start3A_408 = tpu.memref_slice %arg7[%dma_start3A_397] : memref<4x!tpu.dma_semaphore, #tpu.memory_space<semaphore_mem>> -> memref<1x!tpu.dma_semaphore, #tpu.memory_space<semaphore_mem>>
      %dma_start3A_409 = tpu.memref_squeeze %dma_start3A_408 : memref<1x!tpu.dma_semaphore, #tpu.memory_space<semaphore_mem>> -> memref<!tpu.dma_semaphore, #tpu.memory_space<semaphore_mem>>
      tpu.enqueue_indirect_dma source(%dma_start3A_407 : memref<100000x128xf32, #tpu.memory_space<hbm>>) target(%dma_start3A_401 : memref<50x128xf32, #tpu.memory_space<vmem>>) offsets(%dma_start3A_404 : memref<50xi32, #tpu.memory_space<vmem>>) semaphore(%dma_start3A_409 : memref<!tpu.dma_semaphore, #tpu.memory_space<semaphore_mem>>)
      %add3A_410 = arith.constant 0 : i32
      %add3A_411 = arith.addi %mul3A_89, %add3A_410 : i32
      %add3A_412 = arith.constant 0 : i32
      %add3A_413 = arith.addi %add3A_411, %add3A_412 : i32
      %dma_wait3A_414 = arith.constant 0 : i32
      %dma_wait3A_415 = arith.constant 0 : i32
      %dma_wait3A_416 = arith.constant 0 : i32
      %dma_wait3A_417 = arith.constant 0 : i32
      %dma_wait3A_418 = arith.constant 0 : i32
      %dma_wait3A_419 = tpu.memref_slice %arg6[%dma_wait3A_414, %dma_wait3A_415, %dma_wait3A_417, %dma_wait3A_418] : memref<4x4x50x128xf32, #tpu.memory_space<vmem>> -> memref<1x1x50x128xf32, #tpu.memory_space<vmem>>
      %dma_wait3A_420 = tpu.memref_squeeze %dma_wait3A_419 : memref<1x1x50x128xf32, #tpu.memory_space<vmem>> -> memref<50x128xf32, #tpu.memory_space<vmem>>
      %dma_wait3A_421 = arith.constant 0 : i32
      %dma_wait3A_422 = tpu.memref_slice %arg5[%add3A_413, %dma_wait3A_421] : memref<128x50xi32, #tpu.memory_space<vmem>> -> memref<1x50xi32, #tpu.memory_space<vmem>>
      %dma_wait3A_423 = tpu.memref_squeeze %dma_wait3A_422 : memref<1x50xi32, #tpu.memory_space<vmem>> -> memref<50xi32, #tpu.memory_space<vmem>>
      %dma_wait3A_424 = arith.constant 0 : i32
      %dma_wait3A_425 = arith.constant 0 : i32
      %dma_wait3A_426 = tpu.memref_slice %arg3[%dma_wait3A_424, %dma_wait3A_425] : memref<100000x128xf32, #tpu.memory_space<hbm>> -> memref<100000x128xf32, #tpu.memory_space<hbm>>
      %dma_wait3A_427 = tpu.memref_slice %arg7[%dma_wait3A_416] : memref<4x!tpu.dma_semaphore, #tpu.memory_space<semaphore_mem>> -> memref<1x!tpu.dma_semaphore, #tpu.memory_space<semaphore_mem>>
      %dma_wait3A_428 = tpu.memref_squeeze %dma_wait3A_427 : memref<1x!tpu.dma_semaphore, #tpu.memory_space<semaphore_mem>> -> memref<!tpu.dma_semaphore, #tpu.memory_space<semaphore_mem>>
      tpu.wait_indirect_dma semaphore(%dma_wait3A_428 : memref<!tpu.dma_semaphore, #tpu.memory_space<semaphore_mem>>) src(%dma_wait3A_426 : memref<100000x128xf32, #tpu.memory_space<hbm>>) dst(%dma_wait3A_420 : memref<50x128xf32, #tpu.memory_space<vmem>>)
      %add3A_429 = arith.constant 0 : i32
      %add3A_430 = arith.addi %mul3A_89, %add3A_429 : i32
      %add3A_431 = arith.constant 1 : i32
      %add3A_432 = arith.addi %add3A_430, %add3A_431 : i32
      %dma_wait3A_433 = arith.constant 0 : i32
      %dma_wait3A_434 = arith.constant 1 : i32
      %dma_wait3A_435 = arith.constant 0 : i32
      %dma_wait3A_436 = arith.constant 0 : i32
      %dma_wait3A_437 = arith.constant 0 : i32
      %dma_wait3A_438 = tpu.memref_slice %arg6[%dma_wait3A_433, %dma_wait3A_434, %dma_wait3A_436, %dma_wait3A_437] : memref<4x4x50x128xf32, #tpu.memory_space<vmem>> -> memref<1x1x50x128xf32, #tpu.memory_space<vmem>>
      %dma_wait3A_439 = tpu.memref_squeeze %dma_wait3A_438 : memref<1x1x50x128xf32, #tpu.memory_space<vmem>> -> memref<50x128xf32, #tpu.memory_space<vmem>>
      %dma_wait3A_440 = arith.constant 0 : i32
      %dma_wait3A_441 = tpu.memref_slice %arg5[%add3A_432, %dma_wait3A_440] : memref<128x50xi32, #tpu.memory_space<vmem>> -> memref<1x50xi32, #tpu.memory_space<vmem>>
      %dma_wait3A_442 = tpu.memref_squeeze %dma_wait3A_441 : memref<1x50xi32, #tpu.memory_space<vmem>> -> memref<50xi32, #tpu.memory_space<vmem>>
      %dma_wait3A_443 = arith.constant 0 : i32
      %dma_wait3A_444 = arith.constant 0 : i32
      %dma_wait3A_445 = tpu.memref_slice %arg3[%dma_wait3A_443, %dma_wait3A_444] : memref<100000x128xf32, #tpu.memory_space<hbm>> -> memref<100000x128xf32, #tpu.memory_space<hbm>>
      %dma_wait3A_446 = tpu.memref_slice %arg7[%dma_wait3A_435] : memref<4x!tpu.dma_semaphore, #tpu.memory_space<semaphore_mem>> -> memref<1x!tpu.dma_semaphore, #tpu.memory_space<semaphore_mem>>
      %dma_wait3A_447 = tpu.memref_squeeze %dma_wait3A_446 : memref<1x!tpu.dma_semaphore, #tpu.memory_space<semaphore_mem>> -> memref<!tpu.dma_semaphore, #tpu.memory_space<semaphore_mem>>
      tpu.wait_indirect_dma semaphore(%dma_wait3A_447 : memref<!tpu.dma_semaphore, #tpu.memory_space<semaphore_mem>>) src(%dma_wait3A_445 : memref<100000x128xf32, #tpu.memory_space<hbm>>) dst(%dma_wait3A_439 : memref<50x128xf32, #tpu.memory_space<vmem>>)
      %add3A_448 = arith.constant 0 : i32
      %add3A_449 = arith.addi %mul3A_89, %add3A_448 : i32
      %add3A_450 = arith.constant 2 : i32
      %add3A_451 = arith.addi %add3A_449, %add3A_450 : i32
      %dma_wait3A_452 = arith.constant 0 : i32
      %dma_wait3A_453 = arith.constant 2 : i32
      %dma_wait3A_454 = arith.constant 0 : i32
      %dma_wait3A_455 = arith.constant 0 : i32
      %dma_wait3A_456 = arith.constant 0 : i32
      %dma_wait3A_457 = tpu.memref_slice %arg6[%dma_wait3A_452, %dma_wait3A_453, %dma_wait3A_455, %dma_wait3A_456] : memref<4x4x50x128xf32, #tpu.memory_space<vmem>> -> memref<1x1x50x128xf32, #tpu.memory_space<vmem>>
      %dma_wait3A_458 = tpu.memref_squeeze %dma_wait3A_457 : memref<1x1x50x128xf32, #tpu.memory_space<vmem>> -> memref<50x128xf32, #tpu.memory_space<vmem>>
      %dma_wait3A_459 = arith.constant 0 : i32
      %dma_wait3A_460 = tpu.memref_slice %arg5[%add3A_451, %dma_wait3A_459] : memref<128x50xi32, #tpu.memory_space<vmem>> -> memref<1x50xi32, #tpu.memory_space<vmem>>
      %dma_wait3A_461 = tpu.memref_squeeze %dma_wait3A_460 : memref<1x50xi32, #tpu.memory_space<vmem>> -> memref<50xi32, #tpu.memory_space<vmem>>
      %dma_wait3A_462 = arith.constant 0 : i32
      %dma_wait3A_463 = arith.constant 0 : i32
      %dma_wait3A_464 = tpu.memref_slice %arg3[%dma_wait3A_462, %dma_wait3A_463] : memref<100000x128xf32, #tpu.memory_space<hbm>> -> memref<100000x128xf32, #tpu.memory_space<hbm>>
      %dma_wait3A_465 = tpu.memref_slice %arg7[%dma_wait3A_454] : memref<4x!tpu.dma_semaphore, #tpu.memory_space<semaphore_mem>> -> memref<1x!tpu.dma_semaphore, #tpu.memory_space<semaphore_mem>>
      %dma_wait3A_466 = tpu.memref_squeeze %dma_wait3A_465 : memref<1x!tpu.dma_semaphore, #tpu.memory_space<semaphore_mem>> -> memref<!tpu.dma_semaphore, #tpu.memory_space<semaphore_mem>>
      tpu.wait_indirect_dma semaphore(%dma_wait3A_466 : memref<!tpu.dma_semaphore, #tpu.memory_space<semaphore_mem>>) src(%dma_wait3A_464 : memref<100000x128xf32, #tpu.memory_space<hbm>>) dst(%dma_wait3A_458 : memref<50x128xf32, #tpu.memory_space<vmem>>)
      %add3A_467 = arith.constant 0 : i32
      %add3A_468 = arith.addi %mul3A_89, %add3A_467 : i32
      %add3A_469 = arith.constant 3 : i32
      %add3A_470 = arith.addi %add3A_468, %add3A_469 : i32
      %dma_wait3A_471 = arith.constant 0 : i32
      %dma_wait3A_472 = arith.constant 3 : i32
      %dma_wait3A_473 = arith.constant 0 : i32
      %dma_wait3A_474 = arith.constant 0 : i32
      %dma_wait3A_475 = arith.constant 0 : i32
      %dma_wait3A_476 = tpu.memref_slice %arg6[%dma_wait3A_471, %dma_wait3A_472, %dma_wait3A_474, %dma_wait3A_475] : memref<4x4x50x128xf32, #tpu.memory_space<vmem>> -> memref<1x1x50x128xf32, #tpu.memory_space<vmem>>
      %dma_wait3A_477 = tpu.memref_squeeze %dma_wait3A_476 : memref<1x1x50x128xf32, #tpu.memory_space<vmem>> -> memref<50x128xf32, #tpu.memory_space<vmem>>
      %dma_wait3A_478 = arith.constant 0 : i32
      %dma_wait3A_479 = tpu.memref_slice %arg5[%add3A_470, %dma_wait3A_478] : memref<128x50xi32, #tpu.memory_space<vmem>> -> memref<1x50xi32, #tpu.memory_space<vmem>>
      %dma_wait3A_480 = tpu.memref_squeeze %dma_wait3A_479 : memref<1x50xi32, #tpu.memory_space<vmem>> -> memref<50xi32, #tpu.memory_space<vmem>>
      %dma_wait3A_481 = arith.constant 0 : i32
      %dma_wait3A_482 = arith.constant 0 : i32
      %dma_wait3A_483 = tpu.memref_slice %arg3[%dma_wait3A_481, %dma_wait3A_482] : memref<100000x128xf32, #tpu.memory_space<hbm>> -> memref<100000x128xf32, #tpu.memory_space<hbm>>
      %dma_wait3A_484 = tpu.memref_slice %arg7[%dma_wait3A_473] : memref<4x!tpu.dma_semaphore, #tpu.memory_space<semaphore_mem>> -> memref<1x!tpu.dma_semaphore, #tpu.memory_space<semaphore_mem>>
      %dma_wait3A_485 = tpu.memref_squeeze %dma_wait3A_484 : memref<1x!tpu.dma_semaphore, #tpu.memory_space<semaphore_mem>> -> memref<!tpu.dma_semaphore, #tpu.memory_space<semaphore_mem>>
      tpu.wait_indirect_dma semaphore(%dma_wait3A_485 : memref<!tpu.dma_semaphore, #tpu.memory_space<semaphore_mem>>) src(%dma_wait3A_483 : memref<100000x128xf32, #tpu.memory_space<hbm>>) dst(%dma_wait3A_477 : memref<50x128xf32, #tpu.memory_space<vmem>>)
      %add3A_486 = arith.addi %mul3A_2, %mul3A_89 : i32
      %add3A_487 = arith.constant 0 : i32
      %add3A_488 = arith.addi %add3A_486, %add3A_487 : i32
      %dma_start3A_489 = arith.constant 0 : i32
      %dma_start3A_490 = arith.constant 0 : i32
      %dma_start3A_491 = arith.constant 0 : i32
      %dma_start3A_492 = arith.constant 0 : i32
      %dma_start3A_493 = arith.constant 0 : i32
      %dma_start3A_494 = tpu.memref_slice %arg6[%dma_start3A_489, %dma_start3A_491, %dma_start3A_492, %dma_start3A_493] : memref<4x4x50x128xf32, #tpu.memory_space<vmem>> -> memref<1x4x50x128xf32, #tpu.memory_space<vmem>>
      %dma_start3A_495 = tpu.memref_squeeze %dma_start3A_494 : memref<1x4x50x128xf32, #tpu.memory_space<vmem>> -> memref<4x50x128xf32, #tpu.memory_space<vmem>>
      %dma_start3A_496 = arith.constant 0 : i32
      %dma_start3A_497 = arith.constant 0 : i32
      %dma_start3A_498 = tpu.memref_slice %arg4[%add3A_488, %dma_start3A_496, %dma_start3A_497] : memref<4096x50x128xf32, #tpu.memory_space<hbm>> -> memref<4x50x128xf32, #tpu.memory_space<hbm>>
      %dma_start3A_499 = tpu.memref_slice %arg8[%dma_start3A_490] : memref<4x!tpu.dma_semaphore, #tpu.memory_space<semaphore_mem>> -> memref<1x!tpu.dma_semaphore, #tpu.memory_space<semaphore_mem>>
      %dma_start3A_500 = tpu.memref_squeeze %dma_start3A_499 : memref<1x!tpu.dma_semaphore, #tpu.memory_space<semaphore_mem>> -> memref<!tpu.dma_semaphore, #tpu.memory_space<semaphore_mem>>
      %dma_start3A_501 = arith.constant 0 : i32
      %dma_start3A_502 = arith.constant 0 : i32
      %dma_start3A_503 = tpu.memref_slice %arg4[%add3A_488, %dma_start3A_501, %dma_start3A_502] : memref<4096x50x128xf32, #tpu.memory_space<hbm>> -> memref<4x50x128xf32, #tpu.memory_space<hbm>>
      %dma_start3A_504 = arith.constant 0 : i32
      %dma_start3A_505 = arith.constant 0 : i32
      %dma_start3A_506 = arith.constant 0 : i32
      %dma_start3A_507 = tpu.memref_slice %arg6[%dma_start3A_489, %dma_start3A_504, %dma_start3A_505, %dma_start3A_506] : memref<4x4x50x128xf32, #tpu.memory_space<vmem>> -> memref<1x4x50x128xf32, #tpu.memory_space<vmem>>
      %dma_start3A_508 = tpu.memref_squeeze %dma_start3A_507 : memref<1x4x50x128xf32, #tpu.memory_space<vmem>> -> memref<4x50x128xf32, #tpu.memory_space<vmem>>
      tpu.enqueue_dma source(%dma_start3A_508 : memref<4x50x128xf32, #tpu.memory_space<vmem>>) target(%dma_start3A_503 : memref<4x50x128xf32, #tpu.memory_space<hbm>>) target_semaphore(%dma_start3A_500 : memref<!tpu.dma_semaphore, #tpu.memory_space<semaphore_mem>>)
      %add3A_509 = arith.constant 4 : i32
      %add3A_510 = arith.addi %mul3A_89, %add3A_509 : i32
      %add3A_511 = arith.constant 0 : i32
      %add3A_512 = arith.addi %add3A_510, %add3A_511 : i32
      %dma_wait3A_513 = arith.constant 1 : i32
      %dma_wait3A_514 = arith.constant 0 : i32
      %dma_wait3A_515 = arith.constant 1 : i32
      %dma_wait3A_516 = arith.constant 0 : i32
      %dma_wait3A_517 = arith.constant 0 : i32
      %dma_wait3A_518 = tpu.memref_slice %arg6[%dma_wait3A_513, %dma_wait3A_514, %dma_wait3A_516, %dma_wait3A_517] : memref<4x4x50x128xf32, #tpu.memory_space<vmem>> -> memref<1x1x50x128xf32, #tpu.memory_space<vmem>>
      %dma_wait3A_519 = tpu.memref_squeeze %dma_wait3A_518 : memref<1x1x50x128xf32, #tpu.memory_space<vmem>> -> memref<50x128xf32, #tpu.memory_space<vmem>>
      %dma_wait3A_520 = arith.constant 0 : i32
      %dma_wait3A_521 = tpu.memref_slice %arg5[%add3A_512, %dma_wait3A_520] : memref<128x50xi32, #tpu.memory_space<vmem>> -> memref<1x50xi32, #tpu.memory_space<vmem>>
      %dma_wait3A_522 = tpu.memref_squeeze %dma_wait3A_521 : memref<1x50xi32, #tpu.memory_space<vmem>> -> memref<50xi32, #tpu.memory_space<vmem>>
      %dma_wait3A_523 = arith.constant 0 : i32
      %dma_wait3A_524 = arith.constant 0 : i32
      %dma_wait3A_525 = tpu.memref_slice %arg3[%dma_wait3A_523, %dma_wait3A_524] : memref<100000x128xf32, #tpu.memory_space<hbm>> -> memref<100000x128xf32, #tpu.memory_space<hbm>>
      %dma_wait3A_526 = tpu.memref_slice %arg7[%dma_wait3A_515] : memref<4x!tpu.dma_semaphore, #tpu.memory_space<semaphore_mem>> -> memref<1x!tpu.dma_semaphore, #tpu.memory_space<semaphore_mem>>
      %dma_wait3A_527 = tpu.memref_squeeze %dma_wait3A_526 : memref<1x!tpu.dma_semaphore, #tpu.memory_space<semaphore_mem>> -> memref<!tpu.dma_semaphore, #tpu.memory_space<semaphore_mem>>
      tpu.wait_indirect_dma semaphore(%dma_wait3A_527 : memref<!tpu.dma_semaphore, #tpu.memory_space<semaphore_mem>>) src(%dma_wait3A_525 : memref<100000x128xf32, #tpu.memory_space<hbm>>) dst(%dma_wait3A_519 : memref<50x128xf32, #tpu.memory_space<vmem>>)
      %add3A_528 = arith.constant 4 : i32
      %add3A_529 = arith.addi %mul3A_89, %add3A_528 : i32
      %add3A_530 = arith.constant 1 : i32
      %add3A_531 = arith.addi %add3A_529, %add3A_530 : i32
      %dma_wait3A_532 = arith.constant 1 : i32
      %dma_wait3A_533 = arith.constant 1 : i32
      %dma_wait3A_534 = arith.constant 1 : i32
      %dma_wait3A_535 = arith.constant 0 : i32
      %dma_wait3A_536 = arith.constant 0 : i32
      %dma_wait3A_537 = tpu.memref_slice %arg6[%dma_wait3A_532, %dma_wait3A_533, %dma_wait3A_535, %dma_wait3A_536] : memref<4x4x50x128xf32, #tpu.memory_space<vmem>> -> memref<1x1x50x128xf32, #tpu.memory_space<vmem>>
      %dma_wait3A_538 = tpu.memref_squeeze %dma_wait3A_537 : memref<1x1x50x128xf32, #tpu.memory_space<vmem>> -> memref<50x128xf32, #tpu.memory_space<vmem>>
      %dma_wait3A_539 = arith.constant 0 : i32
      %dma_wait3A_540 = tpu.memref_slice %arg5[%add3A_531, %dma_wait3A_539] : memref<128x50xi32, #tpu.memory_space<vmem>> -> memref<1x50xi32, #tpu.memory_space<vmem>>
      %dma_wait3A_541 = tpu.memref_squeeze %dma_wait3A_540 : memref<1x50xi32, #tpu.memory_space<vmem>> -> memref<50xi32, #tpu.memory_space<vmem>>
      %dma_wait3A_542 = arith.constant 0 : i32
      %dma_wait3A_543 = arith.constant 0 : i32
      %dma_wait3A_544 = tpu.memref_slice %arg3[%dma_wait3A_542, %dma_wait3A_543] : memref<100000x128xf32, #tpu.memory_space<hbm>> -> memref<100000x128xf32, #tpu.memory_space<hbm>>
      %dma_wait3A_545 = tpu.memref_slice %arg7[%dma_wait3A_534] : memref<4x!tpu.dma_semaphore, #tpu.memory_space<semaphore_mem>> -> memref<1x!tpu.dma_semaphore, #tpu.memory_space<semaphore_mem>>
      %dma_wait3A_546 = tpu.memref_squeeze %dma_wait3A_545 : memref<1x!tpu.dma_semaphore, #tpu.memory_space<semaphore_mem>> -> memref<!tpu.dma_semaphore, #tpu.memory_space<semaphore_mem>>
      tpu.wait_indirect_dma semaphore(%dma_wait3A_546 : memref<!tpu.dma_semaphore, #tpu.memory_space<semaphore_mem>>) src(%dma_wait3A_544 : memref<100000x128xf32, #tpu.memory_space<hbm>>) dst(%dma_wait3A_538 : memref<50x128xf32, #tpu.memory_space<vmem>>)
      %add3A_547 = arith.constant 4 : i32
      %add3A_548 = arith.addi %mul3A_89, %add3A_547 : i32
      %add3A_549 = arith.constant 2 : i32
      %add3A_550 = arith.addi %add3A_548, %add3A_549 : i32
      %dma_wait3A_551 = arith.constant 1 : i32
      %dma_wait3A_552 = arith.constant 2 : i32
      %dma_wait3A_553 = arith.constant 1 : i32
      %dma_wait3A_554 = arith.constant 0 : i32
      %dma_wait3A_555 = arith.constant 0 : i32
      %dma_wait3A_556 = tpu.memref_slice %arg6[%dma_wait3A_551, %dma_wait3A_552, %dma_wait3A_554, %dma_wait3A_555] : memref<4x4x50x128xf32, #tpu.memory_space<vmem>> -> memref<1x1x50x128xf32, #tpu.memory_space<vmem>>
      %dma_wait3A_557 = tpu.memref_squeeze %dma_wait3A_556 : memref<1x1x50x128xf32, #tpu.memory_space<vmem>> -> memref<50x128xf32, #tpu.memory_space<vmem>>
      %dma_wait3A_558 = arith.constant 0 : i32
      %dma_wait3A_559 = tpu.memref_slice %arg5[%add3A_550, %dma_wait3A_558] : memref<128x50xi32, #tpu.memory_space<vmem>> -> memref<1x50xi32, #tpu.memory_space<vmem>>
      %dma_wait3A_560 = tpu.memref_squeeze %dma_wait3A_559 : memref<1x50xi32, #tpu.memory_space<vmem>> -> memref<50xi32, #tpu.memory_space<vmem>>
      %dma_wait3A_561 = arith.constant 0 : i32
      %dma_wait3A_562 = arith.constant 0 : i32
      %dma_wait3A_563 = tpu.memref_slice %arg3[%dma_wait3A_561, %dma_wait3A_562] : memref<100000x128xf32, #tpu.memory_space<hbm>> -> memref<100000x128xf32, #tpu.memory_space<hbm>>
      %dma_wait3A_564 = tpu.memref_slice %arg7[%dma_wait3A_553] : memref<4x!tpu.dma_semaphore, #tpu.memory_space<semaphore_mem>> -> memref<1x!tpu.dma_semaphore, #tpu.memory_space<semaphore_mem>>
      %dma_wait3A_565 = tpu.memref_squeeze %dma_wait3A_564 : memref<1x!tpu.dma_semaphore, #tpu.memory_space<semaphore_mem>> -> memref<!tpu.dma_semaphore, #tpu.memory_space<semaphore_mem>>
      tpu.wait_indirect_dma semaphore(%dma_wait3A_565 : memref<!tpu.dma_semaphore, #tpu.memory_space<semaphore_mem>>) src(%dma_wait3A_563 : memref<100000x128xf32, #tpu.memory_space<hbm>>) dst(%dma_wait3A_557 : memref<50x128xf32, #tpu.memory_space<vmem>>)
      %add3A_566 = arith.constant 4 : i32
      %add3A_567 = arith.addi %mul3A_89, %add3A_566 : i32
      %add3A_568 = arith.constant 3 : i32
      %add3A_569 = arith.addi %add3A_567, %add3A_568 : i32
      %dma_wait3A_570 = arith.constant 1 : i32
      %dma_wait3A_571 = arith.constant 3 : i32
      %dma_wait3A_572 = arith.constant 1 : i32
      %dma_wait3A_573 = arith.constant 0 : i32
      %dma_wait3A_574 = arith.constant 0 : i32
      %dma_wait3A_575 = tpu.memref_slice %arg6[%dma_wait3A_570, %dma_wait3A_571, %dma_wait3A_573, %dma_wait3A_574] : memref<4x4x50x128xf32, #tpu.memory_space<vmem>> -> memref<1x1x50x128xf32, #tpu.memory_space<vmem>>
      %dma_wait3A_576 = tpu.memref_squeeze %dma_wait3A_575 : memref<1x1x50x128xf32, #tpu.memory_space<vmem>> -> memref<50x128xf32, #tpu.memory_space<vmem>>
      %dma_wait3A_577 = arith.constant 0 : i32
      %dma_wait3A_578 = tpu.memref_slice %arg5[%add3A_569, %dma_wait3A_577] : memref<128x50xi32, #tpu.memory_space<vmem>> -> memref<1x50xi32, #tpu.memory_space<vmem>>
      %dma_wait3A_579 = tpu.memref_squeeze %dma_wait3A_578 : memref<1x50xi32, #tpu.memory_space<vmem>> -> memref<50xi32, #tpu.memory_space<vmem>>
      %dma_wait3A_580 = arith.constant 0 : i32
      %dma_wait3A_581 = arith.constant 0 : i32
      %dma_wait3A_582 = tpu.memref_slice %arg3[%dma_wait3A_580, %dma_wait3A_581] : memref<100000x128xf32, #tpu.memory_space<hbm>> -> memref<100000x128xf32, #tpu.memory_space<hbm>>
      %dma_wait3A_583 = tpu.memref_slice %arg7[%dma_wait3A_572] : memref<4x!tpu.dma_semaphore, #tpu.memory_space<semaphore_mem>> -> memref<1x!tpu.dma_semaphore, #tpu.memory_space<semaphore_mem>>
      %dma_wait3A_584 = tpu.memref_squeeze %dma_wait3A_583 : memref<1x!tpu.dma_semaphore, #tpu.memory_space<semaphore_mem>> -> memref<!tpu.dma_semaphore, #tpu.memory_space<semaphore_mem>>
      tpu.wait_indirect_dma semaphore(%dma_wait3A_584 : memref<!tpu.dma_semaphore, #tpu.memory_space<semaphore_mem>>) src(%dma_wait3A_582 : memref<100000x128xf32, #tpu.memory_space<hbm>>) dst(%dma_wait3A_576 : memref<50x128xf32, #tpu.memory_space<vmem>>)
      %add3A_585 = arith.addi %mul3A_2, %mul3A_89 : i32
      %add3A_586 = arith.constant 4 : i32
      %add3A_587 = arith.addi %add3A_585, %add3A_586 : i32
      %dma_start3A_588 = arith.constant 1 : i32
      %dma_start3A_589 = arith.constant 1 : i32
      %dma_start3A_590 = arith.constant 0 : i32
      %dma_start3A_591 = arith.constant 0 : i32
      %dma_start3A_592 = arith.constant 0 : i32
      %dma_start3A_593 = tpu.memref_slice %arg6[%dma_start3A_588, %dma_start3A_590, %dma_start3A_591, %dma_start3A_592] : memref<4x4x50x128xf32, #tpu.memory_space<vmem>> -> memref<1x4x50x128xf32, #tpu.memory_space<vmem>>
      %dma_start3A_594 = tpu.memref_squeeze %dma_start3A_593 : memref<1x4x50x128xf32, #tpu.memory_space<vmem>> -> memref<4x50x128xf32, #tpu.memory_space<vmem>>
      %dma_start3A_595 = arith.constant 0 : i32
      %dma_start3A_596 = arith.constant 0 : i32
      %dma_start3A_597 = tpu.memref_slice %arg4[%add3A_587, %dma_start3A_595, %dma_start3A_596] : memref<4096x50x128xf32, #tpu.memory_space<hbm>> -> memref<4x50x128xf32, #tpu.memory_space<hbm>>
      %dma_start3A_598 = tpu.memref_slice %arg8[%dma_start3A_589] : memref<4x!tpu.dma_semaphore, #tpu.memory_space<semaphore_mem>> -> memref<1x!tpu.dma_semaphore, #tpu.memory_space<semaphore_mem>>
      %dma_start3A_599 = tpu.memref_squeeze %dma_start3A_598 : memref<1x!tpu.dma_semaphore, #tpu.memory_space<semaphore_mem>> -> memref<!tpu.dma_semaphore, #tpu.memory_space<semaphore_mem>>
      %dma_start3A_600 = arith.constant 0 : i32
      %dma_start3A_601 = arith.constant 0 : i32
      %dma_start3A_602 = tpu.memref_slice %arg4[%add3A_587, %dma_start3A_600, %dma_start3A_601] : memref<4096x50x128xf32, #tpu.memory_space<hbm>> -> memref<4x50x128xf32, #tpu.memory_space<hbm>>
      %dma_start3A_603 = arith.constant 0 : i32
      %dma_start3A_604 = arith.constant 0 : i32
      %dma_start3A_605 = arith.constant 0 : i32
      %dma_start3A_606 = tpu.memref_slice %arg6[%dma_start3A_588, %dma_start3A_603, %dma_start3A_604, %dma_start3A_605] : memref<4x4x50x128xf32, #tpu.memory_space<vmem>> -> memref<1x4x50x128xf32, #tpu.memory_space<vmem>>
      %dma_start3A_607 = tpu.memref_squeeze %dma_start3A_606 : memref<1x4x50x128xf32, #tpu.memory_space<vmem>> -> memref<4x50x128xf32, #tpu.memory_space<vmem>>
      tpu.enqueue_dma source(%dma_start3A_607 : memref<4x50x128xf32, #tpu.memory_space<vmem>>) target(%dma_start3A_602 : memref<4x50x128xf32, #tpu.memory_space<hbm>>) target_semaphore(%dma_start3A_599 : memref<!tpu.dma_semaphore, #tpu.memory_space<semaphore_mem>>)
      %add3A_608 = arith.constant 8 : i32
      %add3A_609 = arith.addi %mul3A_89, %add3A_608 : i32
      %add3A_610 = arith.constant 0 : i32
      %add3A_611 = arith.addi %add3A_609, %add3A_610 : i32
      %dma_wait3A_612 = arith.constant 2 : i32
      %dma_wait3A_613 = arith.constant 0 : i32
      %dma_wait3A_614 = arith.constant 2 : i32
      %dma_wait3A_615 = arith.constant 0 : i32
      %dma_wait3A_616 = arith.constant 0 : i32
      %dma_wait3A_617 = tpu.memref_slice %arg6[%dma_wait3A_612, %dma_wait3A_613, %dma_wait3A_615, %dma_wait3A_616] : memref<4x4x50x128xf32, #tpu.memory_space<vmem>> -> memref<1x1x50x128xf32, #tpu.memory_space<vmem>>
      %dma_wait3A_618 = tpu.memref_squeeze %dma_wait3A_617 : memref<1x1x50x128xf32, #tpu.memory_space<vmem>> -> memref<50x128xf32, #tpu.memory_space<vmem>>
      %dma_wait3A_619 = arith.constant 0 : i32
      %dma_wait3A_620 = tpu.memref_slice %arg5[%add3A_611, %dma_wait3A_619] : memref<128x50xi32, #tpu.memory_space<vmem>> -> memref<1x50xi32, #tpu.memory_space<vmem>>
      %dma_wait3A_621 = tpu.memref_squeeze %dma_wait3A_620 : memref<1x50xi32, #tpu.memory_space<vmem>> -> memref<50xi32, #tpu.memory_space<vmem>>
      %dma_wait3A_622 = arith.constant 0 : i32
      %dma_wait3A_623 = arith.constant 0 : i32
      %dma_wait3A_624 = tpu.memref_slice %arg3[%dma_wait3A_622, %dma_wait3A_623] : memref<100000x128xf32, #tpu.memory_space<hbm>> -> memref<100000x128xf32, #tpu.memory_space<hbm>>
      %dma_wait3A_625 = tpu.memref_slice %arg7[%dma_wait3A_614] : memref<4x!tpu.dma_semaphore, #tpu.memory_space<semaphore_mem>> -> memref<1x!tpu.dma_semaphore, #tpu.memory_space<semaphore_mem>>
      %dma_wait3A_626 = tpu.memref_squeeze %dma_wait3A_625 : memref<1x!tpu.dma_semaphore, #tpu.memory_space<semaphore_mem>> -> memref<!tpu.dma_semaphore, #tpu.memory_space<semaphore_mem>>
      tpu.wait_indirect_dma semaphore(%dma_wait3A_626 : memref<!tpu.dma_semaphore, #tpu.memory_space<semaphore_mem>>) src(%dma_wait3A_624 : memref<100000x128xf32, #tpu.memory_space<hbm>>) dst(%dma_wait3A_618 : memref<50x128xf32, #tpu.memory_space<vmem>>)
      %add3A_627 = arith.constant 8 : i32
      %add3A_628 = arith.addi %mul3A_89, %add3A_627 : i32
      %add3A_629 = arith.constant 1 : i32
      %add3A_630 = arith.addi %add3A_628, %add3A_629 : i32
      %dma_wait3A_631 = arith.constant 2 : i32
      %dma_wait3A_632 = arith.constant 1 : i32
      %dma_wait3A_633 = arith.constant 2 : i32
      %dma_wait3A_634 = arith.constant 0 : i32
      %dma_wait3A_635 = arith.constant 0 : i32
      %dma_wait3A_636 = tpu.memref_slice %arg6[%dma_wait3A_631, %dma_wait3A_632, %dma_wait3A_634, %dma_wait3A_635] : memref<4x4x50x128xf32, #tpu.memory_space<vmem>> -> memref<1x1x50x128xf32, #tpu.memory_space<vmem>>
      %dma_wait3A_637 = tpu.memref_squeeze %dma_wait3A_636 : memref<1x1x50x128xf32, #tpu.memory_space<vmem>> -> memref<50x128xf32, #tpu.memory_space<vmem>>
      %dma_wait3A_638 = arith.constant 0 : i32
      %dma_wait3A_639 = tpu.memref_slice %arg5[%add3A_630, %dma_wait3A_638] : memref<128x50xi32, #tpu.memory_space<vmem>> -> memref<1x50xi32, #tpu.memory_space<vmem>>
      %dma_wait3A_640 = tpu.memref_squeeze %dma_wait3A_639 : memref<1x50xi32, #tpu.memory_space<vmem>> -> memref<50xi32, #tpu.memory_space<vmem>>
      %dma_wait3A_641 = arith.constant 0 : i32
      %dma_wait3A_642 = arith.constant 0 : i32
      %dma_wait3A_643 = tpu.memref_slice %arg3[%dma_wait3A_641, %dma_wait3A_642] : memref<100000x128xf32, #tpu.memory_space<hbm>> -> memref<100000x128xf32, #tpu.memory_space<hbm>>
      %dma_wait3A_644 = tpu.memref_slice %arg7[%dma_wait3A_633] : memref<4x!tpu.dma_semaphore, #tpu.memory_space<semaphore_mem>> -> memref<1x!tpu.dma_semaphore, #tpu.memory_space<semaphore_mem>>
      %dma_wait3A_645 = tpu.memref_squeeze %dma_wait3A_644 : memref<1x!tpu.dma_semaphore, #tpu.memory_space<semaphore_mem>> -> memref<!tpu.dma_semaphore, #tpu.memory_space<semaphore_mem>>
      tpu.wait_indirect_dma semaphore(%dma_wait3A_645 : memref<!tpu.dma_semaphore, #tpu.memory_space<semaphore_mem>>) src(%dma_wait3A_643 : memref<100000x128xf32, #tpu.memory_space<hbm>>) dst(%dma_wait3A_637 : memref<50x128xf32, #tpu.memory_space<vmem>>)
      %add3A_646 = arith.constant 8 : i32
      %add3A_647 = arith.addi %mul3A_89, %add3A_646 : i32
      %add3A_648 = arith.constant 2 : i32
      %add3A_649 = arith.addi %add3A_647, %add3A_648 : i32
      %dma_wait3A_650 = arith.constant 2 : i32
      %dma_wait3A_651 = arith.constant 2 : i32
      %dma_wait3A_652 = arith.constant 2 : i32
      %dma_wait3A_653 = arith.constant 0 : i32
      %dma_wait3A_654 = arith.constant 0 : i32
      %dma_wait3A_655 = tpu.memref_slice %arg6[%dma_wait3A_650, %dma_wait3A_651, %dma_wait3A_653, %dma_wait3A_654] : memref<4x4x50x128xf32, #tpu.memory_space<vmem>> -> memref<1x1x50x128xf32, #tpu.memory_space<vmem>>
      %dma_wait3A_656 = tpu.memref_squeeze %dma_wait3A_655 : memref<1x1x50x128xf32, #tpu.memory_space<vmem>> -> memref<50x128xf32, #tpu.memory_space<vmem>>
      %dma_wait3A_657 = arith.constant 0 : i32
      %dma_wait3A_658 = tpu.memref_slice %arg5[%add3A_649, %dma_wait3A_657] : memref<128x50xi32, #tpu.memory_space<vmem>> -> memref<1x50xi32, #tpu.memory_space<vmem>>
      %dma_wait3A_659 = tpu.memref_squeeze %dma_wait3A_658 : memref<1x50xi32, #tpu.memory_space<vmem>> -> memref<50xi32, #tpu.memory_space<vmem>>
      %dma_wait3A_660 = arith.constant 0 : i32
      %dma_wait3A_661 = arith.constant 0 : i32
      %dma_wait3A_662 = tpu.memref_slice %arg3[%dma_wait3A_660, %dma_wait3A_661] : memref<100000x128xf32, #tpu.memory_space<hbm>> -> memref<100000x128xf32, #tpu.memory_space<hbm>>
      %dma_wait3A_663 = tpu.memref_slice %arg7[%dma_wait3A_652] : memref<4x!tpu.dma_semaphore, #tpu.memory_space<semaphore_mem>> -> memref<1x!tpu.dma_semaphore, #tpu.memory_space<semaphore_mem>>
      %dma_wait3A_664 = tpu.memref_squeeze %dma_wait3A_663 : memref<1x!tpu.dma_semaphore, #tpu.memory_space<semaphore_mem>> -> memref<!tpu.dma_semaphore, #tpu.memory_space<semaphore_mem>>
      tpu.wait_indirect_dma semaphore(%dma_wait3A_664 : memref<!tpu.dma_semaphore, #tpu.memory_space<semaphore_mem>>) src(%dma_wait3A_662 : memref<100000x128xf32, #tpu.memory_space<hbm>>) dst(%dma_wait3A_656 : memref<50x128xf32, #tpu.memory_space<vmem>>)
      %add3A_665 = arith.constant 8 : i32
      %add3A_666 = arith.addi %mul3A_89, %add3A_665 : i32
      %add3A_667 = arith.constant 3 : i32
      %add3A_668 = arith.addi %add3A_666, %add3A_667 : i32
      %dma_wait3A_669 = arith.constant 2 : i32
      %dma_wait3A_670 = arith.constant 3 : i32
      %dma_wait3A_671 = arith.constant 2 : i32
      %dma_wait3A_672 = arith.constant 0 : i32
      %dma_wait3A_673 = arith.constant 0 : i32
      %dma_wait3A_674 = tpu.memref_slice %arg6[%dma_wait3A_669, %dma_wait3A_670, %dma_wait3A_672, %dma_wait3A_673] : memref<4x4x50x128xf32, #tpu.memory_space<vmem>> -> memref<1x1x50x128xf32, #tpu.memory_space<vmem>>
      %dma_wait3A_675 = tpu.memref_squeeze %dma_wait3A_674 : memref<1x1x50x128xf32, #tpu.memory_space<vmem>> -> memref<50x128xf32, #tpu.memory_space<vmem>>
      %dma_wait3A_676 = arith.constant 0 : i32
      %dma_wait3A_677 = tpu.memref_slice %arg5[%add3A_668, %dma_wait3A_676] : memref<128x50xi32, #tpu.memory_space<vmem>> -> memref<1x50xi32, #tpu.memory_space<vmem>>
      %dma_wait3A_678 = tpu.memref_squeeze %dma_wait3A_677 : memref<1x50xi32, #tpu.memory_space<vmem>> -> memref<50xi32, #tpu.memory_space<vmem>>
      %dma_wait3A_679 = arith.constant 0 : i32
      %dma_wait3A_680 = arith.constant 0 : i32
      %dma_wait3A_681 = tpu.memref_slice %arg3[%dma_wait3A_679, %dma_wait3A_680] : memref<100000x128xf32, #tpu.memory_space<hbm>> -> memref<100000x128xf32, #tpu.memory_space<hbm>>
      %dma_wait3A_682 = tpu.memref_slice %arg7[%dma_wait3A_671] : memref<4x!tpu.dma_semaphore, #tpu.memory_space<semaphore_mem>> -> memref<1x!tpu.dma_semaphore, #tpu.memory_space<semaphore_mem>>
      %dma_wait3A_683 = tpu.memref_squeeze %dma_wait3A_682 : memref<1x!tpu.dma_semaphore, #tpu.memory_space<semaphore_mem>> -> memref<!tpu.dma_semaphore, #tpu.memory_space<semaphore_mem>>
      tpu.wait_indirect_dma semaphore(%dma_wait3A_683 : memref<!tpu.dma_semaphore, #tpu.memory_space<semaphore_mem>>) src(%dma_wait3A_681 : memref<100000x128xf32, #tpu.memory_space<hbm>>) dst(%dma_wait3A_675 : memref<50x128xf32, #tpu.memory_space<vmem>>)
      %add3A_684 = arith.addi %mul3A_2, %mul3A_89 : i32
      %add3A_685 = arith.constant 8 : i32
      %add3A_686 = arith.addi %add3A_684, %add3A_685 : i32
      %dma_start3A_687 = arith.constant 2 : i32
      %dma_start3A_688 = arith.constant 2 : i32
      %dma_start3A_689 = arith.constant 0 : i32
      %dma_start3A_690 = arith.constant 0 : i32
      %dma_start3A_691 = arith.constant 0 : i32
      %dma_start3A_692 = tpu.memref_slice %arg6[%dma_start3A_687, %dma_start3A_689, %dma_start3A_690, %dma_start3A_691] : memref<4x4x50x128xf32, #tpu.memory_space<vmem>> -> memref<1x4x50x128xf32, #tpu.memory_space<vmem>>
      %dma_start3A_693 = tpu.memref_squeeze %dma_start3A_692 : memref<1x4x50x128xf32, #tpu.memory_space<vmem>> -> memref<4x50x128xf32, #tpu.memory_space<vmem>>
      %dma_start3A_694 = arith.constant 0 : i32
      %dma_start3A_695 = arith.constant 0 : i32
      %dma_start3A_696 = tpu.memref_slice %arg4[%add3A_686, %dma_start3A_694, %dma_start3A_695] : memref<4096x50x128xf32, #tpu.memory_space<hbm>> -> memref<4x50x128xf32, #tpu.memory_space<hbm>>
      %dma_start3A_697 = tpu.memref_slice %arg8[%dma_start3A_688] : memref<4x!tpu.dma_semaphore, #tpu.memory_space<semaphore_mem>> -> memref<1x!tpu.dma_semaphore, #tpu.memory_space<semaphore_mem>>
      %dma_start3A_698 = tpu.memref_squeeze %dma_start3A_697 : memref<1x!tpu.dma_semaphore, #tpu.memory_space<semaphore_mem>> -> memref<!tpu.dma_semaphore, #tpu.memory_space<semaphore_mem>>
      %dma_start3A_699 = arith.constant 0 : i32
      %dma_start3A_700 = arith.constant 0 : i32
      %dma_start3A_701 = tpu.memref_slice %arg4[%add3A_686, %dma_start3A_699, %dma_start3A_700] : memref<4096x50x128xf32, #tpu.memory_space<hbm>> -> memref<4x50x128xf32, #tpu.memory_space<hbm>>
      %dma_start3A_702 = arith.constant 0 : i32
      %dma_start3A_703 = arith.constant 0 : i32
      %dma_start3A_704 = arith.constant 0 : i32
      %dma_start3A_705 = tpu.memref_slice %arg6[%dma_start3A_687, %dma_start3A_702, %dma_start3A_703, %dma_start3A_704] : memref<4x4x50x128xf32, #tpu.memory_space<vmem>> -> memref<1x4x50x128xf32, #tpu.memory_space<vmem>>
      %dma_start3A_706 = tpu.memref_squeeze %dma_start3A_705 : memref<1x4x50x128xf32, #tpu.memory_space<vmem>> -> memref<4x50x128xf32, #tpu.memory_space<vmem>>
      tpu.enqueue_dma source(%dma_start3A_706 : memref<4x50x128xf32, #tpu.memory_space<vmem>>) target(%dma_start3A_701 : memref<4x50x128xf32, #tpu.memory_space<hbm>>) target_semaphore(%dma_start3A_698 : memref<!tpu.dma_semaphore, #tpu.memory_space<semaphore_mem>>)
      %add3A_707 = arith.constant 12 : i32
      %add3A_708 = arith.addi %mul3A_89, %add3A_707 : i32
      %add3A_709 = arith.constant 0 : i32
      %add3A_710 = arith.addi %add3A_708, %add3A_709 : i32
      %dma_wait3A_711 = arith.constant 3 : i32
      %dma_wait3A_712 = arith.constant 0 : i32
      %dma_wait3A_713 = arith.constant 3 : i32
      %dma_wait3A_714 = arith.constant 0 : i32
      %dma_wait3A_715 = arith.constant 0 : i32
      %dma_wait3A_716 = tpu.memref_slice %arg6[%dma_wait3A_711, %dma_wait3A_712, %dma_wait3A_714, %dma_wait3A_715] : memref<4x4x50x128xf32, #tpu.memory_space<vmem>> -> memref<1x1x50x128xf32, #tpu.memory_space<vmem>>
      %dma_wait3A_717 = tpu.memref_squeeze %dma_wait3A_716 : memref<1x1x50x128xf32, #tpu.memory_space<vmem>> -> memref<50x128xf32, #tpu.memory_space<vmem>>
      %dma_wait3A_718 = arith.constant 0 : i32
      %dma_wait3A_719 = tpu.memref_slice %arg5[%add3A_710, %dma_wait3A_718] : memref<128x50xi32, #tpu.memory_space<vmem>> -> memref<1x50xi32, #tpu.memory_space<vmem>>
      %dma_wait3A_720 = tpu.memref_squeeze %dma_wait3A_719 : memref<1x50xi32, #tpu.memory_space<vmem>> -> memref<50xi32, #tpu.memory_space<vmem>>
      %dma_wait3A_721 = arith.constant 0 : i32
      %dma_wait3A_722 = arith.constant 0 : i32
      %dma_wait3A_723 = tpu.memref_slice %arg3[%dma_wait3A_721, %dma_wait3A_722] : memref<100000x128xf32, #tpu.memory_space<hbm>> -> memref<100000x128xf32, #tpu.memory_space<hbm>>
      %dma_wait3A_724 = tpu.memref_slice %arg7[%dma_wait3A_713] : memref<4x!tpu.dma_semaphore, #tpu.memory_space<semaphore_mem>> -> memref<1x!tpu.dma_semaphore, #tpu.memory_space<semaphore_mem>>
      %dma_wait3A_725 = tpu.memref_squeeze %dma_wait3A_724 : memref<1x!tpu.dma_semaphore, #tpu.memory_space<semaphore_mem>> -> memref<!tpu.dma_semaphore, #tpu.memory_space<semaphore_mem>>
      tpu.wait_indirect_dma semaphore(%dma_wait3A_725 : memref<!tpu.dma_semaphore, #tpu.memory_space<semaphore_mem>>) src(%dma_wait3A_723 : memref<100000x128xf32, #tpu.memory_space<hbm>>) dst(%dma_wait3A_717 : memref<50x128xf32, #tpu.memory_space<vmem>>)
      %add3A_726 = arith.constant 12 : i32
      %add3A_727 = arith.addi %mul3A_89, %add3A_726 : i32
      %add3A_728 = arith.constant 1 : i32
      %add3A_729 = arith.addi %add3A_727, %add3A_728 : i32
      %dma_wait3A_730 = arith.constant 3 : i32
      %dma_wait3A_731 = arith.constant 1 : i32
      %dma_wait3A_732 = arith.constant 3 : i32
      %dma_wait3A_733 = arith.constant 0 : i32
      %dma_wait3A_734 = arith.constant 0 : i32
      %dma_wait3A_735 = tpu.memref_slice %arg6[%dma_wait3A_730, %dma_wait3A_731, %dma_wait3A_733, %dma_wait3A_734] : memref<4x4x50x128xf32, #tpu.memory_space<vmem>> -> memref<1x1x50x128xf32, #tpu.memory_space<vmem>>
      %dma_wait3A_736 = tpu.memref_squeeze %dma_wait3A_735 : memref<1x1x50x128xf32, #tpu.memory_space<vmem>> -> memref<50x128xf32, #tpu.memory_space<vmem>>
      %dma_wait3A_737 = arith.constant 0 : i32
      %dma_wait3A_738 = tpu.memref_slice %arg5[%add3A_729, %dma_wait3A_737] : memref<128x50xi32, #tpu.memory_space<vmem>> -> memref<1x50xi32, #tpu.memory_space<vmem>>
      %dma_wait3A_739 = tpu.memref_squeeze %dma_wait3A_738 : memref<1x50xi32, #tpu.memory_space<vmem>> -> memref<50xi32, #tpu.memory_space<vmem>>
      %dma_wait3A_740 = arith.constant 0 : i32
      %dma_wait3A_741 = arith.constant 0 : i32
      %dma_wait3A_742 = tpu.memref_slice %arg3[%dma_wait3A_740, %dma_wait3A_741] : memref<100000x128xf32, #tpu.memory_space<hbm>> -> memref<100000x128xf32, #tpu.memory_space<hbm>>
      %dma_wait3A_743 = tpu.memref_slice %arg7[%dma_wait3A_732] : memref<4x!tpu.dma_semaphore, #tpu.memory_space<semaphore_mem>> -> memref<1x!tpu.dma_semaphore, #tpu.memory_space<semaphore_mem>>
      %dma_wait3A_744 = tpu.memref_squeeze %dma_wait3A_743 : memref<1x!tpu.dma_semaphore, #tpu.memory_space<semaphore_mem>> -> memref<!tpu.dma_semaphore, #tpu.memory_space<semaphore_mem>>
      tpu.wait_indirect_dma semaphore(%dma_wait3A_744 : memref<!tpu.dma_semaphore, #tpu.memory_space<semaphore_mem>>) src(%dma_wait3A_742 : memref<100000x128xf32, #tpu.memory_space<hbm>>) dst(%dma_wait3A_736 : memref<50x128xf32, #tpu.memory_space<vmem>>)
      %add3A_745 = arith.constant 12 : i32
      %add3A_746 = arith.addi %mul3A_89, %add3A_745 : i32
      %add3A_747 = arith.constant 2 : i32
      %add3A_748 = arith.addi %add3A_746, %add3A_747 : i32
      %dma_wait3A_749 = arith.constant 3 : i32
      %dma_wait3A_750 = arith.constant 2 : i32
      %dma_wait3A_751 = arith.constant 3 : i32
      %dma_wait3A_752 = arith.constant 0 : i32
      %dma_wait3A_753 = arith.constant 0 : i32
      %dma_wait3A_754 = tpu.memref_slice %arg6[%dma_wait3A_749, %dma_wait3A_750, %dma_wait3A_752, %dma_wait3A_753] : memref<4x4x50x128xf32, #tpu.memory_space<vmem>> -> memref<1x1x50x128xf32, #tpu.memory_space<vmem>>
      %dma_wait3A_755 = tpu.memref_squeeze %dma_wait3A_754 : memref<1x1x50x128xf32, #tpu.memory_space<vmem>> -> memref<50x128xf32, #tpu.memory_space<vmem>>
      %dma_wait3A_756 = arith.constant 0 : i32
      %dma_wait3A_757 = tpu.memref_slice %arg5[%add3A_748, %dma_wait3A_756] : memref<128x50xi32, #tpu.memory_space<vmem>> -> memref<1x50xi32, #tpu.memory_space<vmem>>
      %dma_wait3A_758 = tpu.memref_squeeze %dma_wait3A_757 : memref<1x50xi32, #tpu.memory_space<vmem>> -> memref<50xi32, #tpu.memory_space<vmem>>
      %dma_wait3A_759 = arith.constant 0 : i32
      %dma_wait3A_760 = arith.constant 0 : i32
      %dma_wait3A_761 = tpu.memref_slice %arg3[%dma_wait3A_759, %dma_wait3A_760] : memref<100000x128xf32, #tpu.memory_space<hbm>> -> memref<100000x128xf32, #tpu.memory_space<hbm>>
      %dma_wait3A_762 = tpu.memref_slice %arg7[%dma_wait3A_751] : memref<4x!tpu.dma_semaphore, #tpu.memory_space<semaphore_mem>> -> memref<1x!tpu.dma_semaphore, #tpu.memory_space<semaphore_mem>>
      %dma_wait3A_763 = tpu.memref_squeeze %dma_wait3A_762 : memref<1x!tpu.dma_semaphore, #tpu.memory_space<semaphore_mem>> -> memref<!tpu.dma_semaphore, #tpu.memory_space<semaphore_mem>>
      tpu.wait_indirect_dma semaphore(%dma_wait3A_763 : memref<!tpu.dma_semaphore, #tpu.memory_space<semaphore_mem>>) src(%dma_wait3A_761 : memref<100000x128xf32, #tpu.memory_space<hbm>>) dst(%dma_wait3A_755 : memref<50x128xf32, #tpu.memory_space<vmem>>)
      %add3A_764 = arith.constant 12 : i32
      %add3A_765 = arith.addi %mul3A_89, %add3A_764 : i32
      %add3A_766 = arith.constant 3 : i32
      %add3A_767 = arith.addi %add3A_765, %add3A_766 : i32
      %dma_wait3A_768 = arith.constant 3 : i32
      %dma_wait3A_769 = arith.constant 3 : i32
      %dma_wait3A_770 = arith.constant 3 : i32
      %dma_wait3A_771 = arith.constant 0 : i32
      %dma_wait3A_772 = arith.constant 0 : i32
      %dma_wait3A_773 = tpu.memref_slice %arg6[%dma_wait3A_768, %dma_wait3A_769, %dma_wait3A_771, %dma_wait3A_772] : memref<4x4x50x128xf32, #tpu.memory_space<vmem>> -> memref<1x1x50x128xf32, #tpu.memory_space<vmem>>
      %dma_wait3A_774 = tpu.memref_squeeze %dma_wait3A_773 : memref<1x1x50x128xf32, #tpu.memory_space<vmem>> -> memref<50x128xf32, #tpu.memory_space<vmem>>
      %dma_wait3A_775 = arith.constant 0 : i32
      %dma_wait3A_776 = tpu.memref_slice %arg5[%add3A_767, %dma_wait3A_775] : memref<128x50xi32, #tpu.memory_space<vmem>> -> memref<1x50xi32, #tpu.memory_space<vmem>>
      %dma_wait3A_777 = tpu.memref_squeeze %dma_wait3A_776 : memref<1x50xi32, #tpu.memory_space<vmem>> -> memref<50xi32, #tpu.memory_space<vmem>>
      %dma_wait3A_778 = arith.constant 0 : i32
      %dma_wait3A_779 = arith.constant 0 : i32
      %dma_wait3A_780 = tpu.memref_slice %arg3[%dma_wait3A_778, %dma_wait3A_779] : memref<100000x128xf32, #tpu.memory_space<hbm>> -> memref<100000x128xf32, #tpu.memory_space<hbm>>
      %dma_wait3A_781 = tpu.memref_slice %arg7[%dma_wait3A_770] : memref<4x!tpu.dma_semaphore, #tpu.memory_space<semaphore_mem>> -> memref<1x!tpu.dma_semaphore, #tpu.memory_space<semaphore_mem>>
      %dma_wait3A_782 = tpu.memref_squeeze %dma_wait3A_781 : memref<1x!tpu.dma_semaphore, #tpu.memory_space<semaphore_mem>> -> memref<!tpu.dma_semaphore, #tpu.memory_space<semaphore_mem>>
      tpu.wait_indirect_dma semaphore(%dma_wait3A_782 : memref<!tpu.dma_semaphore, #tpu.memory_space<semaphore_mem>>) src(%dma_wait3A_780 : memref<100000x128xf32, #tpu.memory_space<hbm>>) dst(%dma_wait3A_774 : memref<50x128xf32, #tpu.memory_space<vmem>>)
      %add3A_783 = arith.addi %mul3A_2, %mul3A_89 : i32
      %add3A_784 = arith.constant 12 : i32
      %add3A_785 = arith.addi %add3A_783, %add3A_784 : i32
      %dma_start3A_786 = arith.constant 3 : i32
      %dma_start3A_787 = arith.constant 3 : i32
      %dma_start3A_788 = arith.constant 0 : i32
      %dma_start3A_789 = arith.constant 0 : i32
      %dma_start3A_790 = arith.constant 0 : i32
      %dma_start3A_791 = tpu.memref_slice %arg6[%dma_start3A_786, %dma_start3A_788, %dma_start3A_789, %dma_start3A_790] : memref<4x4x50x128xf32, #tpu.memory_space<vmem>> -> memref<1x4x50x128xf32, #tpu.memory_space<vmem>>
      %dma_start3A_792 = tpu.memref_squeeze %dma_start3A_791 : memref<1x4x50x128xf32, #tpu.memory_space<vmem>> -> memref<4x50x128xf32, #tpu.memory_space<vmem>>
      %dma_start3A_793 = arith.constant 0 : i32
      %dma_start3A_794 = arith.constant 0 : i32
      %dma_start3A_795 = tpu.memref_slice %arg4[%add3A_785, %dma_start3A_793, %dma_start3A_794] : memref<4096x50x128xf32, #tpu.memory_space<hbm>> -> memref<4x50x128xf32, #tpu.memory_space<hbm>>
      %dma_start3A_796 = tpu.memref_slice %arg8[%dma_start3A_787] : memref<4x!tpu.dma_semaphore, #tpu.memory_space<semaphore_mem>> -> memref<1x!tpu.dma_semaphore, #tpu.memory_space<semaphore_mem>>
      %dma_start3A_797 = tpu.memref_squeeze %dma_start3A_796 : memref<1x!tpu.dma_semaphore, #tpu.memory_space<semaphore_mem>> -> memref<!tpu.dma_semaphore, #tpu.memory_space<semaphore_mem>>
      %dma_start3A_798 = arith.constant 0 : i32
      %dma_start3A_799 = arith.constant 0 : i32
      %dma_start3A_800 = tpu.memref_slice %arg4[%add3A_785, %dma_start3A_798, %dma_start3A_799] : memref<4096x50x128xf32, #tpu.memory_space<hbm>> -> memref<4x50x128xf32, #tpu.memory_space<hbm>>
      %dma_start3A_801 = arith.constant 0 : i32
      %dma_start3A_802 = arith.constant 0 : i32
      %dma_start3A_803 = arith.constant 0 : i32
      %dma_start3A_804 = tpu.memref_slice %arg6[%dma_start3A_786, %dma_start3A_801, %dma_start3A_802, %dma_start3A_803] : memref<4x4x50x128xf32, #tpu.memory_space<vmem>> -> memref<1x4x50x128xf32, #tpu.memory_space<vmem>>
      %dma_start3A_805 = tpu.memref_squeeze %dma_start3A_804 : memref<1x4x50x128xf32, #tpu.memory_space<vmem>> -> memref<4x50x128xf32, #tpu.memory_space<vmem>>
      tpu.enqueue_dma source(%dma_start3A_805 : memref<4x50x128xf32, #tpu.memory_space<vmem>>) target(%dma_start3A_800 : memref<4x50x128xf32, #tpu.memory_space<hbm>>) target_semaphore(%dma_start3A_797 : memref<!tpu.dma_semaphore, #tpu.memory_space<semaphore_mem>>)
    }
    %scan3A_7 = arith.constant 8 : i32
    %dma_wait3A = arith.constant 0 : i32
    %dma_wait3A_8 = arith.constant 0 : i32
    %dma_wait3A_9 = arith.constant 0 : i32
    %dma_wait3A_10 = arith.constant 0 : i32
    %dma_wait3A_11 = arith.constant 0 : i32
    %dma_wait3A_12 = tpu.memref_slice %arg6[%dma_wait3A, %dma_wait3A_9, %dma_wait3A_10, %dma_wait3A_11] : memref<4x4x50x128xf32, #tpu.memory_space<vmem>> -> memref<1x4x50x128xf32, #tpu.memory_space<vmem>>
    %dma_wait3A_13 = tpu.memref_squeeze %dma_wait3A_12 : memref<1x4x50x128xf32, #tpu.memory_space<vmem>> -> memref<4x50x128xf32, #tpu.memory_space<vmem>>
    %dma_wait3A_14 = arith.constant 0 : i32
    %dma_wait3A_15 = arith.constant 0 : i32
    %dma_wait3A_16 = tpu.memref_slice %arg4[%mul3A_2, %dma_wait3A_14, %dma_wait3A_15] : memref<4096x50x128xf32, #tpu.memory_space<hbm>> -> memref<4x50x128xf32, #tpu.memory_space<hbm>>
    %dma_wait3A_17 = tpu.memref_slice %arg8[%dma_wait3A_8] : memref<4x!tpu.dma_semaphore, #tpu.memory_space<semaphore_mem>> -> memref<1x!tpu.dma_semaphore, #tpu.memory_space<semaphore_mem>>
    %dma_wait3A_18 = tpu.memref_squeeze %dma_wait3A_17 : memref<1x!tpu.dma_semaphore, #tpu.memory_space<semaphore_mem>> -> memref<!tpu.dma_semaphore, #tpu.memory_space<semaphore_mem>>
    %dma_wait3A_19 = arith.constant 0 : i32
    %dma_wait3A_20 = arith.constant 0 : i32
    %dma_wait3A_21 = tpu.memref_slice %arg4[%mul3A_2, %dma_wait3A_19, %dma_wait3A_20] : memref<4096x50x128xf32, #tpu.memory_space<hbm>> -> memref<4x50x128xf32, #tpu.memory_space<hbm>>
    %dma_wait3A_22 = arith.constant 0 : i32
    %dma_wait3A_23 = arith.constant 0 : i32
    %dma_wait3A_24 = arith.constant 0 : i32
    %dma_wait3A_25 = tpu.memref_slice %arg6[%dma_wait3A, %dma_wait3A_22, %dma_wait3A_23, %dma_wait3A_24] : memref<4x4x50x128xf32, #tpu.memory_space<vmem>> -> memref<1x4x50x128xf32, #tpu.memory_space<vmem>>
    %dma_wait3A_26 = tpu.memref_squeeze %dma_wait3A_25 : memref<1x4x50x128xf32, #tpu.memory_space<vmem>> -> memref<4x50x128xf32, #tpu.memory_space<vmem>>
    tpu.wait_dma2 semaphore(%dma_wait3A_18 : memref<!tpu.dma_semaphore, #tpu.memory_space<semaphore_mem>>) src(%dma_wait3A_26 : memref<4x50x128xf32, #tpu.memory_space<vmem>>) dst(%dma_wait3A_21 : memref<4x50x128xf32, #tpu.memory_space<hbm>>)
    %dma_wait3A_27 = arith.constant 1 : i32
    %dma_wait3A_28 = arith.constant 1 : i32
    %dma_wait3A_29 = arith.constant 0 : i32
    %dma_wait3A_30 = arith.constant 0 : i32
    %dma_wait3A_31 = arith.constant 0 : i32
    %dma_wait3A_32 = tpu.memref_slice %arg6[%dma_wait3A_27, %dma_wait3A_29, %dma_wait3A_30, %dma_wait3A_31] : memref<4x4x50x128xf32, #tpu.memory_space<vmem>> -> memref<1x4x50x128xf32, #tpu.memory_space<vmem>>
    %dma_wait3A_33 = tpu.memref_squeeze %dma_wait3A_32 : memref<1x4x50x128xf32, #tpu.memory_space<vmem>> -> memref<4x50x128xf32, #tpu.memory_space<vmem>>
    %dma_wait3A_34 = arith.constant 0 : i32
    %dma_wait3A_35 = arith.constant 0 : i32
    %dma_wait3A_36 = tpu.memref_slice %arg4[%mul3A_2, %dma_wait3A_34, %dma_wait3A_35] : memref<4096x50x128xf32, #tpu.memory_space<hbm>> -> memref<4x50x128xf32, #tpu.memory_space<hbm>>
    %dma_wait3A_37 = tpu.memref_slice %arg8[%dma_wait3A_28] : memref<4x!tpu.dma_semaphore, #tpu.memory_space<semaphore_mem>> -> memref<1x!tpu.dma_semaphore, #tpu.memory_space<semaphore_mem>>
    %dma_wait3A_38 = tpu.memref_squeeze %dma_wait3A_37 : memref<1x!tpu.dma_semaphore, #tpu.memory_space<semaphore_mem>> -> memref<!tpu.dma_semaphore, #tpu.memory_space<semaphore_mem>>
    %dma_wait3A_39 = arith.constant 0 : i32
    %dma_wait3A_40 = arith.constant 0 : i32
    %dma_wait3A_41 = tpu.memref_slice %arg4[%mul3A_2, %dma_wait3A_39, %dma_wait3A_40] : memref<4096x50x128xf32, #tpu.memory_space<hbm>> -> memref<4x50x128xf32, #tpu.memory_space<hbm>>
    %dma_wait3A_42 = arith.constant 0 : i32
    %dma_wait3A_43 = arith.constant 0 : i32
    %dma_wait3A_44 = arith.constant 0 : i32
    %dma_wait3A_45 = tpu.memref_slice %arg6[%dma_wait3A_27, %dma_wait3A_42, %dma_wait3A_43, %dma_wait3A_44] : memref<4x4x50x128xf32, #tpu.memory_space<vmem>> -> memref<1x4x50x128xf32, #tpu.memory_space<vmem>>
    %dma_wait3A_46 = tpu.memref_squeeze %dma_wait3A_45 : memref<1x4x50x128xf32, #tpu.memory_space<vmem>> -> memref<4x50x128xf32, #tpu.memory_space<vmem>>
    tpu.wait_dma2 semaphore(%dma_wait3A_38 : memref<!tpu.dma_semaphore, #tpu.memory_space<semaphore_mem>>) src(%dma_wait3A_46 : memref<4x50x128xf32, #tpu.memory_space<vmem>>) dst(%dma_wait3A_41 : memref<4x50x128xf32, #tpu.memory_space<hbm>>)
    %dma_wait3A_47 = arith.constant 2 : i32
    %dma_wait3A_48 = arith.constant 2 : i32
    %dma_wait3A_49 = arith.constant 0 : i32
    %dma_wait3A_50 = arith.constant 0 : i32
    %dma_wait3A_51 = arith.constant 0 : i32
    %dma_wait3A_52 = tpu.memref_slice %arg6[%dma_wait3A_47, %dma_wait3A_49, %dma_wait3A_50, %dma_wait3A_51] : memref<4x4x50x128xf32, #tpu.memory_space<vmem>> -> memref<1x4x50x128xf32, #tpu.memory_space<vmem>>
    %dma_wait3A_53 = tpu.memref_squeeze %dma_wait3A_52 : memref<1x4x50x128xf32, #tpu.memory_space<vmem>> -> memref<4x50x128xf32, #tpu.memory_space<vmem>>
    %dma_wait3A_54 = arith.constant 0 : i32
    %dma_wait3A_55 = arith.constant 0 : i32
    %dma_wait3A_56 = tpu.memref_slice %arg4[%mul3A_2, %dma_wait3A_54, %dma_wait3A_55] : memref<4096x50x128xf32, #tpu.memory_space<hbm>> -> memref<4x50x128xf32, #tpu.memory_space<hbm>>
    %dma_wait3A_57 = tpu.memref_slice %arg8[%dma_wait3A_48] : memref<4x!tpu.dma_semaphore, #tpu.memory_space<semaphore_mem>> -> memref<1x!tpu.dma_semaphore, #tpu.memory_space<semaphore_mem>>
    %dma_wait3A_58 = tpu.memref_squeeze %dma_wait3A_57 : memref<1x!tpu.dma_semaphore, #tpu.memory_space<semaphore_mem>> -> memref<!tpu.dma_semaphore, #tpu.memory_space<semaphore_mem>>
    %dma_wait3A_59 = arith.constant 0 : i32
    %dma_wait3A_60 = arith.constant 0 : i32
    %dma_wait3A_61 = tpu.memref_slice %arg4[%mul3A_2, %dma_wait3A_59, %dma_wait3A_60] : memref<4096x50x128xf32, #tpu.memory_space<hbm>> -> memref<4x50x128xf32, #tpu.memory_space<hbm>>
    %dma_wait3A_62 = arith.constant 0 : i32
    %dma_wait3A_63 = arith.constant 0 : i32
    %dma_wait3A_64 = arith.constant 0 : i32
    %dma_wait3A_65 = tpu.memref_slice %arg6[%dma_wait3A_47, %dma_wait3A_62, %dma_wait3A_63, %dma_wait3A_64] : memref<4x4x50x128xf32, #tpu.memory_space<vmem>> -> memref<1x4x50x128xf32, #tpu.memory_space<vmem>>
    %dma_wait3A_66 = tpu.memref_squeeze %dma_wait3A_65 : memref<1x4x50x128xf32, #tpu.memory_space<vmem>> -> memref<4x50x128xf32, #tpu.memory_space<vmem>>
    tpu.wait_dma2 semaphore(%dma_wait3A_58 : memref<!tpu.dma_semaphore, #tpu.memory_space<semaphore_mem>>) src(%dma_wait3A_66 : memref<4x50x128xf32, #tpu.memory_space<vmem>>) dst(%dma_wait3A_61 : memref<4x50x128xf32, #tpu.memory_space<hbm>>)
    %dma_wait3A_67 = arith.constant 3 : i32
    %dma_wait3A_68 = arith.constant 3 : i32
    %dma_wait3A_69 = arith.constant 0 : i32
    %dma_wait3A_70 = arith.constant 0 : i32
    %dma_wait3A_71 = arith.constant 0 : i32
    %dma_wait3A_72 = tpu.memref_slice %arg6[%dma_wait3A_67, %dma_wait3A_69, %dma_wait3A_70, %dma_wait3A_71] : memref<4x4x50x128xf32, #tpu.memory_space<vmem>> -> memref<1x4x50x128xf32, #tpu.memory_space<vmem>>
    %dma_wait3A_73 = tpu.memref_squeeze %dma_wait3A_72 : memref<1x4x50x128xf32, #tpu.memory_space<vmem>> -> memref<4x50x128xf32, #tpu.memory_space<vmem>>
    %dma_wait3A_74 = arith.constant 0 : i32
    %dma_wait3A_75 = arith.constant 0 : i32
    %dma_wait3A_76 = tpu.memref_slice %arg4[%mul3A_2, %dma_wait3A_74, %dma_wait3A_75] : memref<4096x50x128xf32, #tpu.memory_space<hbm>> -> memref<4x50x128xf32, #tpu.memory_space<hbm>>
    %dma_wait3A_77 = tpu.memref_slice %arg8[%dma_wait3A_68] : memref<4x!tpu.dma_semaphore, #tpu.memory_space<semaphore_mem>> -> memref<1x!tpu.dma_semaphore, #tpu.memory_space<semaphore_mem>>
    %dma_wait3A_78 = tpu.memref_squeeze %dma_wait3A_77 : memref<1x!tpu.dma_semaphore, #tpu.memory_space<semaphore_mem>> -> memref<!tpu.dma_semaphore, #tpu.memory_space<semaphore_mem>>
    %dma_wait3A_79 = arith.constant 0 : i32
    %dma_wait3A_80 = arith.constant 0 : i32
    %dma_wait3A_81 = tpu.memref_slice %arg4[%mul3A_2, %dma_wait3A_79, %dma_wait3A_80] : memref<4096x50x128xf32, #tpu.memory_space<hbm>> -> memref<4x50x128xf32, #tpu.memory_space<hbm>>
    %dma_wait3A_82 = arith.constant 0 : i32
    %dma_wait3A_83 = arith.constant 0 : i32
    %dma_wait3A_84 = arith.constant 0 : i32
    %dma_wait3A_85 = tpu.memref_slice %arg6[%dma_wait3A_67, %dma_wait3A_82, %dma_wait3A_83, %dma_wait3A_84] : memref<4x4x50x128xf32, #tpu.memory_space<vmem>> -> memref<1x4x50x128xf32, #tpu.memory_space<vmem>>
    %dma_wait3A_86 = tpu.memref_squeeze %dma_wait3A_85 : memref<1x4x50x128xf32, #tpu.memory_space<vmem>> -> memref<4x50x128xf32, #tpu.memory_space<vmem>>
    tpu.wait_dma2 semaphore(%dma_wait3A_78 : memref<!tpu.dma_semaphore, #tpu.memory_space<semaphore_mem>>) src(%dma_wait3A_86 : memref<4x50x128xf32, #tpu.memory_space<vmem>>) dst(%dma_wait3A_81 : memref<4x50x128xf32, #tpu.memory_space<hbm>>)
    return
  }
}

</mosaic_0001>

<sc_bundles>
// kernel: kernel.3.cloned.1.call-start
scs
__scs_entry_jumppad:
0x0: {  	(pc) =	sbr.rel $0x88, $3  }
0x1: {  	(tag) =	ssettag $0x0;
	lr =	simm.s32 $0x1  }
0x2: {  	[smem:$0x3F9F] =	sst lr;
	_ =	strace $0xD0000000  }
0x3: {  	_ = 	snop  }
0x4: {  	_ = 	snop  }
0x5: {  	_ = 	snop  }
0x6: {  	_ = 	snop  }
0x7: {  	_ = 	snop  }
__scs_overlays_trampoline_lowered:
0x8: {  	[smem:$0x3FAE] =	sst s0  }
0x9: {  	[smem:$0x3FAF] =	sst s1  }
0xa: {  	[smem:$0x3FB0] =	sst s2  }
0xb: {  	[smem:$0x3FB1] =	sst s3  }
0xc: {  	[smem:$0x3FB2] =	sst s4  }
0xd: {  	[smem:$0x3FB3] =	sst s5  }
0xe: {  	[smem:$0x3FB4] =	sst s6  }
0xf: {  	[smem:$0x3FB5] =	sst s7  }
0x10: {  	[smem:$0x3FB6] =	sst s8  }
0x11: {  	[smem:$0x3FB7] =	sst s9;
	s0 =	simm.s32 @!p0 $0x0  }
0x12: {  	s1 =	sld [smem:$0x3F9D];
	s0 =	simm.s32 @p0 $0x1  }
0x13: {  	[smem:$0x3FB8] =	sst s0;
	s0 =	simm.s32 @!p1 $0x0  }
0x14: {  	s2 =	sld [smem:$0x3F9C];
	s0 =	simm.s32 @p1 $0x1  }
0x15: {  	[smem:$0x3FB9] =	sst s0;
	s0 =	simm.s32 @!p2 $0x0  }
0x16: {  	s3 =	sld [smem:$0x3FDB];
	s0 =	simm.s32 @p2 $0x1  }
0x17: {  	s4 =	simm.s32 $0x1BF5;
	[smem:$0x3FBB] =	sst s0  }
0x18: {  	s0 =	sld [smem:$0x3F9E];
	_ =	swait.ge [sflag:s4], $0x0  }
0x19: {  	s7 =	sld [smem:$0x3F9F]  }
0x1a: {  	s8 =	sadd.s32 $0xFFFFE003, lr  }
0x1b: {  	s9 =	sadd.s32 $0xFFFFFEF7, lr;
	s5 =	simm.s32 $0xFFFFFFFF;
	p2 =	slt.u32 s8, $0xFFFFF086  }
0x1c: {  	p1 =	slt.u32 s9, $0xF7A;
	s5 =	simm.s32 @!p2 $0x0  }
0x1d: {  	s5 =	simm.s32 @p1 $0x1;
	p0 =	seq.s32 s7, s2  }
0x1e: {  	s7 =	smul.u32 @!p0 $0xF7A, s2;
	p2 =	seq.s32 @!p0 s5, $0x0  }
0x1f: {  	s9 =	smul.u32 $0xF7A, s1;
	s8 =	simm.s32 @!p0 $0x1BF5;
	p2 =	por !p2, p0  }
0x20: {  	[sflag:s8] =	ssyncset.s32 @!p0 $0xFFFFF086;
	s6 =	sadd.s32 @!p0 s3, s7;
	s7 =	simm.s32 @!p0 $0x108  }
0x21: {  	s3 =	sadd.s32 s3, s9;
	s6 =	sadd.s32 @!p0 $0x88, s6;
	s7 =	simm.s32 @p2 $0x1082  }
0x22: {  	[simem:s7], [sflag:s8] =	dma.local @!p0 [hbm:s6], $0xF7A  }
0x23: {  	s9 =	sor.u32 $0xD0000000, s2;
	s6 =	simm.s32 $0x108;
	_ =	swait.ge @!p0 [sflag:s8], $0x0  }
0x24: {  	s3 =	sadd.s32 $0x88, s3;
	s6 =	simm.s32 @!p1 $0x1082;
	[sflag:s4] =	ssyncset.s32 $0xFFFFF086  }
0x25: {  	[simem:s6], [sflag:s4] =	dma.local [hbm:s3], $0xF7A  }
0x26: {  	[smem:$0x3F9F] =	sst s1;
	(tag) =	ssettag s2;
	_ =	strace s9  }
0x27: {  	s1 =	sld [smem:$0x3FAF]  }
0x28: {  	s2 =	sld [smem:$0x3FB0]  }
0x29: {  	s4 =	sld [smem:$0x3FB2]  }
0x2a: {  	p0 =	seq.s32 s5, $0x0;
	s5 =	sld [smem:$0x3FB3]  }
0x2b: {  	s6 =	sld [smem:$0x3FB4]  }
0x2c: {  	s7 =	sld [smem:$0x3FB5]  }
0x2d: {  	s3 =	simm.s32 $0x108;
	s8 =	sld [smem:$0x3FB6]  }
0x2e: {  	s3 =	simm.s32 @!p0 $0x1082;
	s9 =	sld [smem:$0x3FB7]  }
0x2f: {  	lr =	sadd.s32 s0, s3;
	s0 =	sld [smem:$0x3FAE]  }
0x30: {  	s3 =	sld [smem:$0x3FB1]  }
0x31: {  	[smem:$0x3FBA] =	sst s10  }
0x32: {  	s10 =	sld [smem:$0x3FB8];
	_ =	sdelay $0x3  }
0x33: {  	p0 =	seq.s32 s10, $0x1;
	s10 =	sld [smem:$0x3FBA];
	_ =	sdelay $0x3  }
0x34: {  	[smem:$0x3FBA] =	sst s10  }
0x35: {  	s10 =	sld [smem:$0x3FB9];
	_ =	sdelay $0x3  }
0x36: {  	p1 =	seq.s32 s10, $0x1;
	s10 =	sld [smem:$0x3FBA];
	_ =	sdelay $0x3  }
0x37: {  	[smem:$0x3FBA] =	sst s10  }
0x38: {  	s10 =	sld [smem:$0x3FBB]  }
0x39: {  	_ = 	snop;
	(pc) =	sbr.ind lr, $3  }
0x3a: {  	_ = 	snop  }
0x3b: {  	_ = 	snop  }
0x3c: {  	p2 =	seq.s32 s10, $0x1;
	s10 =	sld [smem:$0x3FBA]  }
0x3d: {  	_ =	shalt  }
0x3e: {  	_ =	shalt  }
0x3f: {  	_ =	shalt  }
0x40: {  	_ =	shalt  }
0x41: {  	_ =	shalt  }
0x42: {  	_ =	shalt  }
0x43: {  	_ =	shalt  }
0x44: {  	_ =	shalt  }
0x45: {  	_ =	shalt  }
0x46: {  	_ =	shalt  }
0x47: {  	_ =	shalt  }
0x48: {  	_ =	shalt  }
0x49: {  	_ =	shalt  }
0x4a: {  	_ =	shalt  }
0x4b: {  	_ =	shalt  }
0x4c: {  	_ =	shalt  }
0x4d: {  	_ =	shalt  }
0x4e: {  	_ =	shalt  }
0x4f: {  	_ =	shalt  }
0x50: {  	_ =	shalt  }
0x51: {  	_ =	shalt  }
0x52: {  	_ =	shalt  }
0x53: {  	_ =	shalt  }
0x54: {  	_ =	shalt  }
0x55: {  	_ =	shalt  }
0x56: {  	_ =	shalt  }
0x57: {  	_ =	shalt  }
0x58: {  	_ =	shalt  }
0x59: {  	_ =	shalt  }
0x5a: {  	_ =	shalt  }
0x5b: {  	_ =	shalt  }
0x5c: {  	_ =	shalt  }
0x5d: {  	_ =	shalt  }
0x5e: {  	_ =	shalt  }
0x5f: {  	_ =	shalt  }
0x60: {  	_ =	shalt  }
0x61: {  	_ =	shalt  }
0x62: {  	_ =	shalt  }
0x63: {  	_ =	shalt  }
0x64: {  	_ =	shalt  }
0x65: {  	_ =	shalt  }
0x66: {  	_ =	shalt  }
0x67: {  	_ =	shalt  }
0x68: {  	_ =	shalt  }
0x69: {  	_ =	shalt  }
0x6a: {  	_ =	shalt  }
0x6b: {  	_ =	shalt  }
0x6c: {  	_ =	shalt  }
0x6d: {  	_ =	shalt  }
0x6e: {  	_ =	shalt  }
0x6f: {  	_ =	shalt  }
0x70: {  	_ =	shalt  }
0x71: {  	_ =	shalt  }
0x72: {  	_ =	shalt  }
0x73: {  	_ =	shalt  }
0x74: {  	_ =	shalt  }
0x75: {  	_ =	shalt  }
0x76: {  	_ =	shalt  }
0x77: {  	_ =	shalt  }
0x78: {  	_ =	shalt  }
0x79: {  	_ =	shalt  }
0x7a: {  	_ =	shalt  }
0x7b: {  	_ =	shalt  }
0x7c: {  	_ =	shalt  }
0x7d: {  	_ =	shalt  }
0x7e: {  	_ =	shalt  }
0x7f: {  	_ =	shalt  }
0x80: {  	_ =	shalt  }
0x81: {  	_ =	shalt  }
0x82: {  	_ =	shalt  }
0x83: {  	_ =	shalt  }
0x84: {  	_ =	shalt  }
0x85: {  	_ =	shalt  }
0x86: {  	_ =	shalt  }
0x87: {  	_ =	shalt  }
.Lfunc_end0:
.L_simem_size_0:
called_computation_lowered:
.L_overlay_start_0:
0x88: {  	s2 =	sld [smem:$0x3FD9]  }
0x89: {  	s3 =	sld [smem:$0x3FFE];
	_ =	sdelay $0x1  }
0x8a: {  	s1 =	srdreg.scid  }
0x8b: {  	s0 =	sand.u32 $0x1, s1  }
0x8c: {  	s17 =	sshll.u32 s0, $0xA;
	s2 =	sadd.s32 s3, s2  }
0x8d: {  	s2 =	sadd.s32 s2, s17  }
0x8e: {  	[smem:$0x3FC6] =	sst s2  }
0x8f: {  	_ = 	snop  }
0x90: {  	s2 =	sld [smem:$0x3FC8]  }
0x91: {  	s18 =	sld [smem:$0x3FD0];
	(tm) =	ssettm $0x1  }
0x92: {  	s4 =	sld [smem:$0x3FFB];
	_ =	sdelay $0x3  }
0x93: {  	_ =	strace s4  }
0x94: {  	s4 =	sld [smem:$0x3FFC];
	_ =	sdelay $0x3  }
0x95: {  	_ =	strace s4  }
0x96: {  	s4 =	sld [smem:$0x3FFD];
	_ =	sdelay $0x3  }
0x97: {  	_ =	strace s4  }
0x98: {  	_ =	strace $0x8FFFFFFF  }
0x99: {  	s19 =	sld [smem:$0x3FDB];
	_ =	sdelay $0x1  }
0x9a: {  	s5 =	simm.s32 $_scs_section_size  }
0x9b: {  	s6 =	simm.s32 $_size__tile_overlayer_lowered;
	s7 =	simm.s32 $_tile_overlayer_lowered  }
0x9c: {  	s22 =	simm.s32 $0x1BFF;
	s21 =	sshll.u32 s7, $0x1;
	s4 =	sadd.s32 s5, s19  }
0x9d: {  	s8 =	simm.s32 $0x0;
	s20 =	sshll.u32 s6, $0x1;
	s6 =	sadd.s32 s21, s4  }
0x9e: {  	[timem:s8], [sflag:s22] =	dma.local [hbm:s6], s20  }
0x9f: {  	_ =	swait.ge [sflag:s22], s20  }
0xa0: {  	s5 =	ssub.s32 $0x0, s20;
	[sflag:s22] =	ssyncset.done $0x0  }
0xa1: {  	[sflag:s22] =	ssyncadd.s32 s5;
	_ =	sdelay $0x1  }
0xa2: {  	s23 =	simm.s32 $0x1B8B  }
0xa3: {  	_ =	swait.ge [sflag:s23], $0x1  }
0xa4: {  	[sflag:s23] =	ssyncset.done $0x0  }
0xa5: {  	s25 =	simm.s32 $0x1B8E;
	s24 =	sld [smem:$0x3FFE];
	[sflag:s23] =	ssyncadd.s32 $0xFFFFFFFF  }
0xa6: {  	s26 =	simm.s32 $execute0_lowered;
	[smem:$0x3FD2] =	sst s25  }
0xa7: {  	s6 =	sshll.u32 s26, $0x1;
	_ =	strace $0x80000046;
	[dreg:$0x1] =	wrdreg $0xFFFFFFFF  }
0xa8: {  	s28 =	simm.s32 $_size_execute0_lowered;
	s4 =	sadd.s32 s4, s6;
	[dreg:$0x0] =	wrdreg $0x0  }
0xa9: {  	s6 =	sshll.u32 s28, $0x1;
	[dreg:$0x2] =	wrdreg s4  }
0xaa: {  	[dreg:$0x3] =	wrdreg s6  }
0xab: {  	[dreg:$0x4] =	wrdreg $0xC0  }
0xac: {  	_ =	task [dreg:s8], $0x5FFFF  }
0xad: {  	[dreg:$0x1] =	wrdreg $0xFFFFFFFF  }
0xae: {  	[dreg:$0x0] =	wrdreg $0x60  }
0xaf: {  	[dreg:$0x2] =	wrdreg s18  }
0xb0: {  	[dreg:$0x3] =	wrdreg s2  }
0xb1: {  	[dreg:$0x4] =	wrdreg s24  }
0xb2: {  	[dreg:$0x5] =	wrdreg $0x9  }
0xb3: {  	_ =	task.clear_ibuf [dreg:s8], $0x6FFFF;
	_ =	strace $0x90000046  }
0xb4: {  	s29 =	simm.s32 $0x9;
	_ =	strace $0x80000048  }
0xb5: {  	_ =	swait.ge [sflag:s29], $0x1  }
0xb6: {  	[sflag:s29] =	ssyncadd.s32 $0xFFFFFFFF  }
0xb7: {  	_ =	strace $0x90000048  }
0xb8: {  	_ =	sfence  }
0xb9: {  	s30 =	sld [smem:$0x0];
	_ =	sdelay $0x2  }
0xba: {  	s31 =	sshll.u32 s1, $0xD;
	s1 =	sshrl.u32 s1, $0x2  }
0xbb: {  	s3 =	sand.u32 $0x4000, s31;
	s1 =	sadd.s32 s1, s30  }
0xbc: {  	s0 =	sor.u32 s3, s0;
	s1 =	sshll.u32 s1, $0x11  }
0xbd: {  	s0 =	sor.u32 s1, s0  }
0xbe: {  	s0 =	sadd.s32 $0x8F2B, s0  }
0xbf: {  	[sflag:s0] =	ssyncadd.remote.s32 $0x1  }
0xc0: {  	_ =	sfence.sel $0xFFFF  }
0xc1: {  	[dreg:$0x0] =	wrdreg $0xFFFFFFFF;
	(pc) =	sbr.abs _section_cstart, $3  }
0xc2: {  	[dreg:$0x1] =	wrdreg $0xFFFFFFFF  }
0xc3: {  	_ =	task.clear_ibuf [dreg:s8], $0x2FFFF;
	_ =	strace $0x9FFFFFFF  }
0xc4: {  	(tm) =	ssettm $0x7FFFFFFF  }
0xc5: {  	_ =	shalt  }
tec
execute0_lowered:
.L_overlay_start_1:
0x0: {  	(tag) =	ssettag $0x1  }
0x1: {  	s0 =	rddreg [dreg:$0x0]  }
0x2: {  	s2 =	rddreg [dreg:$0x1]  }
0x3: {  	s1 =	rddreg [dreg:$0x2]  }
0x4: {  	s4 =	srdreg.scid;
	s11 =	stileid.u32  }
0x5: {  	s3 =	simm.s32 $0x0;
	s26 =	simm.s32 $0xB000;
	s29 =	simm.s32 $0xCC00  }
0x6: {  	s30 =	simm.s32 $0xE800;
	s31 =	simm.s32 $0x10400;
	s28 =	simm.s32 $0x9400  }
0x7: {  	s4 =	sand.u32 $0x1, s4;
	s5 =	smul.u32 $0x1C0000, s11;
	[smem:$0x7FF] =	sst s3  }
0x8: {  	s1 =	sadd.s32 $0x400, s1;
	s9 =	sshll.u32 s11, $0xC;
	s22 =	smul.u32 $0x38000, s11  }
0x9: {  	s11 =	simm.s32 $0x1E400;
	_ =	strace $0x80000047;
	[dreg:$0x4] =	wrdreg s26  }
0xa: {  	s6 =	ssub.s32 $0x2, s4;
	s7 =	smul.u32 $0xE0000, s4;
	[dreg:$0x5] =	wrdreg s29  }
0xb: {  	s10 =	sshll.u32 s4, $0xB;
	s4 =	smul.u32 $0x1C000, s4;
	[dreg:$0x6] =	wrdreg s30  }
0xc: {  	[dreg:$0x7] =	wrdreg s31;
	s8 =	sshrl.u32 s6, $0x1;
	s17 =	sor.u32 s10, s9  }
0xd: {  	s24 =	sadd.s32 s22, s1;
	s5 =	sadd.s32 s7, s5;
	s6 =	ssub.s32 s6, s8  }
0xe: {  	s0 =	sadd.s32 s0, s17;
	s25 =	sadd.s32 s4, s24;
	s18 =	sor.u32 $0x15000, s5  }
0xf: {  	[dreg:$0x8] =	wrdreg s0;
	s19 =	smax.u32 s6, $0x1;
	s20 =	sshrl.u32 s18, $0x3  }
0x10: {  	s21 =	sor.u32 $0xE000, s5;
	[dreg:$0xd] =	wrdreg s25;
	s0 =	sadd.s32 s20, s1  }
0x11: {  	s5 =	sor.u32 $0x7000, s5;
	[dreg:$0xa] =	wrdreg s0;
	s0 =	sshrl.u32 s21, $0x3  }
0x12: {  	[dreg:$0x9] =	wrdreg s19;
	s23 =	sshrl.u32 s5, $0x3;
	s0 =	sadd.s32 s0, s1  }
0x13: {  	s26 =	simm.s32 $0x1E400;
	[dreg:$0xb] =	wrdreg s0;
	s0 =	sadd.s32 s23, s1  }
0x14: {  	s4 =	simm.s32 $0x0;
	s25 =	simm.s32 $0x32;
	[dreg:$0xc] =	wrdreg s0  }
.LBB2_1:
0x15: {  	[dreg:$0xe] =	wrdreg s4  }
0x16: {  	s0 =	rddreg [dreg:$0x8];
	s14 =	simm.s32 $0x9  }
0x17: {  	[tilespmem:s3], [sflag:$0x9] =	stream.linear.gather [hbm4b:s0+s3], $0x4000, $0x38;
	v63 =	vld [tilespmem:$0x0]  }
0x18: {  	p1 =	por $0x1, $0x1;
	_ =	swait.ge [sflag:s14], $0x4000  }
0x19: {  	p0 =	por p1, p1;
	[sflag:s14] =	ssyncset.done $0x0  }
0x1a: {  	s0 =	simm.s32 @!p0 $0x5;
	[sflag:s14] =	ssyncadd.s32 $0xFFFFC000  }
0x1b: {  	_ =	swait.ge @!p0 [sflag:s0], $0x6400  }
0x1c: {  	s15 =	simm.s32 $0x0;
	[sflag:s0] =	ssyncset.done @!p0 $0x0  }
0x1d: {  	s6 =	simm.s32 $0x32;
	s7 =	simm.s32 $0x4000;
	[sflag:s0] =	ssyncadd.s32 @!p0 $0xFFFF9C00  }
0x1e: {  	[tilespmem:s7], [sflag:$0x1] =	stream.indirect.gather [hbm4b:s2+s6], $0x80, s15, s6, $0xb8;
	v63 =	vld [tilespmem:$0x0]  }
0x1f: {  	s16 =	simm.s32 $0x80;
	s8 =	simm.s32 $0x5C00  }
0x20: {  	[tilespmem:s8], [sflag:$0x1] =	stream.indirect.gather [hbm4b:s2+s6], $0x80, s16, s6, $0xb8;
	v63 =	vld [tilespmem:$0x0]  }
0x21: {  	s17 =	simm.s32 $0x100;
	s9 =	simm.s32 $0x7800  }
0x22: {  	[tilespmem:s9], [sflag:$0x1] =	stream.indirect.gather [hbm4b:s2+s6], $0x80, s17, s6, $0xb8;
	v63 =	vld [tilespmem:$0x0]  }
0x23: {  	s18 =	simm.s32 $0x180;
	s10 =	simm.s32 $0x9400  }
0x24: {  	[tilespmem:s10], [sflag:$0x1] =	stream.indirect.gather [hbm4b:s2+s6], $0x80, s18, s6, $0xb8;
	v63 =	vld [tilespmem:$0x0]  }
0x25: {  	s1 =	simm.s32 @p0 $0x32;
	s4 =	simm.s32 @p0 $0xB000;
	s0 =	simm.s32 @p1 $0x200  }
0x26: {  	[tilespmem:s4], [sflag:$0x2] =	stream.indirect.gather @p0 [hbm4b:s2+s1], $0x80, s0, s1, $0xb8;
	v63 =	vld [tilespmem:$0x0]  }
0x27: {  	s0 =	simm.s32 @p1 $0x280;
	s4 =	simm.s32 @p0 $0xCC00  }
0x28: {  	[tilespmem:s4], [sflag:$0x2] =	stream.indirect.gather @p0 [hbm4b:s2+s1], $0x80, s0, s1, $0xb8;
	v63 =	vld [tilespmem:$0x0]  }
0x29: {  	s0 =	simm.s32 @p1 $0x300;
	s4 =	simm.s32 @p0 $0xE800  }
0x2a: {  	[tilespmem:s4], [sflag:$0x2] =	stream.indirect.gather @p0 [hbm4b:s2+s1], $0x80, s0, s1, $0xb8;
	v63 =	vld [tilespmem:$0x0]  }
0x2b: {  	s5 =	simm.s32 @!p0 $0x6;
	s0 =	simm.s32 @p1 $0x380;
	s4 =	simm.s32 @p0 $0x10400  }
0x2c: {  	[tilespmem:s4], [sflag:$0x2] =	stream.indirect.gather @p0 [hbm4b:s2+s1], $0x80, s0, s1, $0xb8;
	v63 =	vld [tilespmem:$0x0]  }
0x2d: {  	_ =	swait.ge @!p0 [sflag:s5], $0x6400  }
0x2e: {  	s0 =	simm.s32 @!p1 $0x200;
	[sflag:s5] =	ssyncset.done @!p0 $0x0  }
0x2f: {  	s1 =	simm.s32 @!p0 $0x32;
	s4 =	simm.s32 @!p0 $0xB000;
	[sflag:s5] =	ssyncadd.s32 @!p0 $0xFFFF9C00  }
0x30: {  	[tilespmem:s4], [sflag:$0x2] =	stream.indirect.gather @!p0 [hbm4b:s2+s1], $0x80, s0, s1, $0xb8;
	v63 =	vld [tilespmem:$0x0]  }
0x31: {  	s0 =	simm.s32 @!p1 $0x280;
	s4 =	simm.s32 @!p0 $0xCC00  }
0x32: {  	[tilespmem:s4], [sflag:$0x2] =	stream.indirect.gather @!p0 [hbm4b:s2+s1], $0x80, s0, s1, $0xb8;
	v63 =	vld [tilespmem:$0x0]  }
0x33: {  	s0 =	simm.s32 @!p1 $0x300;
	s4 =	simm.s32 @!p0 $0xE800  }
0x34: {  	[tilespmem:s4], [sflag:$0x2] =	stream.indirect.gather @!p0 [hbm4b:s2+s1], $0x80, s0, s1, $0xb8;
	v63 =	vld [tilespmem:$0x0]  }
0x35: {  	s5 =	simm.s32 @!p0 $0x7;
	s0 =	simm.s32 @!p1 $0x380;
	s4 =	simm.s32 @!p0 $0x10400  }
0x36: {  	[tilespmem:s4], [sflag:$0x2] =	stream.indirect.gather @!p0 [hbm4b:s2+s1], $0x80, s0, s1, $0xb8;
	v63 =	vld [tilespmem:$0x0]  }
0x37: {  	_ =	swait.ge @!p0 [sflag:s5], $0x6400  }
0x38: {  	[sflag:s5] =	ssyncset.done @!p0 $0x0  }
0x39: {  	s19 =	simm.s32 $0x400;
	[sflag:s5] =	ssyncadd.s32 @!p0 $0xFFFF9C00;
	s5 =	simm.s32 $0x12000  }
0x3a: {  	[tilespmem:s5], [sflag:$0x3] =	stream.indirect.gather [hbm4b:s2+s6], $0x80, s19, s6, $0xb8;
	v63 =	vld [tilespmem:$0x0]  }
0x3b: {  	s20 =	simm.s32 $0x480;
	s12 =	simm.s32 $0x13C00  }
0x3c: {  	[tilespmem:s12], [sflag:$0x3] =	stream.indirect.gather [hbm4b:s2+s6], $0x80, s20, s6, $0xb8;
	v63 =	vld [tilespmem:$0x0]  }
0x3d: {  	s21 =	simm.s32 $0x500;
	s13 =	simm.s32 $0x15800  }
0x3e: {  	[tilespmem:s13], [sflag:$0x3] =	stream.indirect.gather [hbm4b:s2+s6], $0x80, s21, s6, $0xb8;
	v63 =	vld [tilespmem:$0x0]  }
0x3f: {  	s22 =	simm.s32 $0x580;
	s15 =	simm.s32 $0x17400;
	s1 =	simm.s32 @!p0 $0x8  }
0x40: {  	[tilespmem:s15], [sflag:$0x3] =	stream.indirect.gather [hbm4b:s2+s6], $0x80, s22, s6, $0xb8;
	v63 =	vld [tilespmem:$0x0]  }
0x41: {  	_ =	swait.ge @!p0 [sflag:s1], $0x6400  }
0x42: {  	[sflag:s1] =	ssyncset.done @!p0 $0x0  }
0x43: {  	s23 =	simm.s32 $0x600;
	s16 =	simm.s32 $0x19000;
	[sflag:s1] =	ssyncadd.s32 @!p0 $0xFFFF9C00  }
0x44: {  	[tilespmem:s16], [sflag:$0x4] =	stream.indirect.gather [hbm4b:s2+s6], $0x80, s23, s6, $0xb8;
	v63 =	vld [tilespmem:$0x0]  }
0x45: {  	s24 =	simm.s32 $0x680;
	s17 =	simm.s32 $0x1AC00  }
0x46: {  	[tilespmem:s17], [sflag:$0x4] =	stream.indirect.gather [hbm4b:s2+s6], $0x80, s24, s6, $0xb8;
	v63 =	vld [tilespmem:$0x0]  }
0x47: {  	s18 =	simm.s32 $0x1C800;
	s1 =	simm.s32 $0x700  }
0x48: {  	[tilespmem:s18], [sflag:$0x4] =	stream.indirect.gather [hbm4b:s2+s6], $0x80, s1, s6, $0xb8;
	v63 =	vld [tilespmem:$0x0]  }
0x49: {  	s4 =	simm.s32 $0x780  }
0x4a: {  	[tilespmem:s11], [sflag:$0x4] =	stream.indirect.gather [hbm4b:s2+s6], $0x80, s4, s6, $0xb8;
	v63 =	vld [tilespmem:$0x0]  }
0x4b: {  	s6 =	simm.s32 $0x1  }
0x4c: {  	_ =	swait.ge [sflag:s6], $0x1900  }
0x4d: {  	[sflag:s6] =	ssyncset.done $0x0  }
0x4e: {  	[sflag:s6] =	ssyncadd.s32 $0xFFFFE700  }
0x4f: {  	_ =	swait.ge [sflag:s6], $0x1900  }
0x50: {  	[sflag:s6] =	ssyncset.done $0x0  }
0x51: {  	[sflag:s6] =	ssyncadd.s32 $0xFFFFE700  }
0x52: {  	_ =	swait.ge [sflag:s6], $0x1900  }
0x53: {  	[sflag:s6] =	ssyncset.done $0x0  }
0x54: {  	[sflag:s6] =	ssyncadd.s32 $0xFFFFE700  }
0x55: {  	_ =	swait.ge [sflag:s6], $0x1900  }
0x56: {  	[sflag:s6] =	ssyncset.done $0x0  }
0x57: {  	s14 =	rddreg [dreg:$0xd];
	[sflag:s6] =	ssyncadd.s32 $0xFFFFE700  }
0x58: {  	[hbm4b:s14+s3] =	stream.linear.scatter [tilespmem:s7], [sflag:$0x5], $0x1900, $0x38;
	v63 =	vld [tilespmem:$0x0]  }
0x59: {  	s7 =	sadd.s32 $0x380, s14  }
0x5a: {  	[hbm4b:s7+s3] =	stream.linear.scatter [tilespmem:s8], [sflag:$0x5], $0x1900, $0x38;
	v63 =	vld [tilespmem:$0x0]  }
0x5b: {  	s11 =	sadd.s32 $0x700, s14  }
0x5c: {  	[hbm4b:s11+s3] =	stream.linear.scatter [tilespmem:s9], [sflag:$0x5], $0x1900, $0x38;
	v63 =	vld [tilespmem:$0x0]  }
0x5d: {  	s20 =	simm.s32 $0x2;
	s19 =	sadd.s32 $0xA80, s14  }
0x5e: {  	[hbm4b:s19+s3] =	stream.linear.scatter [tilespmem:s10], [sflag:$0x5], $0x1900, $0x38;
	v63 =	vld [tilespmem:$0x0]  }
0x5f: {  	_ =	swait.ge [sflag:s20], $0x1900  }
0x60: {  	[sflag:s20] =	ssyncset.done $0x0  }
0x61: {  	[sflag:s20] =	ssyncadd.s32 $0xFFFFE700  }
0x62: {  	_ =	swait.ge [sflag:s20], $0x1900  }
0x63: {  	[sflag:s20] =	ssyncset.done $0x0  }
0x64: {  	[sflag:s20] =	ssyncadd.s32 $0xFFFFE700  }
0x65: {  	_ =	swait.ge [sflag:s20], $0x1900  }
0x66: {  	[sflag:s20] =	ssyncset.done $0x0  }
0x67: {  	[sflag:s20] =	ssyncadd.s32 $0xFFFFE700  }
0x68: {  	_ =	swait.ge [sflag:s20], $0x1900  }
0x69: {  	s21 =	rddreg [dreg:$0x4];
	[sflag:s20] =	ssyncset.done $0x0  }
0x6a: {  	s10 =	rddreg [dreg:$0xc];
	[sflag:s20] =	ssyncadd.s32 $0xFFFFE700  }
0x6b: {  	[hbm4b:s10+s3] =	stream.linear.scatter [tilespmem:s21], [sflag:$0x6], $0x1900, $0x38;
	v63 =	vld [tilespmem:$0x0]  }
0x6c: {  	s22 =	rddreg [dreg:$0x5];
	s23 =	sadd.s32 $0x380, s10  }
0x6d: {  	[hbm4b:s23+s3] =	stream.linear.scatter [tilespmem:s22], [sflag:$0x6], $0x1900, $0x38;
	v63 =	vld [tilespmem:$0x0]  }
0x6e: {  	s24 =	rddreg [dreg:$0x6];
	s1 =	sadd.s32 $0x700, s10  }
0x6f: {  	[hbm4b:s1+s3] =	stream.linear.scatter [tilespmem:s24], [sflag:$0x6], $0x1900, $0x38;
	v63 =	vld [tilespmem:$0x0]  }
0x70: {  	s8 =	simm.s32 $0x3;
	s6 =	rddreg [dreg:$0x7];
	s7 =	sadd.s32 $0xA80, s10  }
0x71: {  	[hbm4b:s7+s3] =	stream.linear.scatter [tilespmem:s6], [sflag:$0x6], $0x1900, $0x38;
	v63 =	vld [tilespmem:$0x0]  }
0x72: {  	_ =	swait.ge [sflag:s8], $0x1900  }
0x73: {  	[sflag:s8] =	ssyncset.done $0x0  }
0x74: {  	[sflag:s8] =	ssyncadd.s32 $0xFFFFE700  }
0x75: {  	_ =	swait.ge [sflag:s8], $0x1900  }
0x76: {  	[sflag:s8] =	ssyncset.done $0x0  }
0x77: {  	[sflag:s8] =	ssyncadd.s32 $0xFFFFE700  }
0x78: {  	_ =	swait.ge [sflag:s8], $0x1900  }
0x79: {  	[sflag:s8] =	ssyncset.done $0x0  }
0x7a: {  	[sflag:s8] =	ssyncadd.s32 $0xFFFFE700  }
0x7b: {  	_ =	swait.ge [sflag:s8], $0x1900  }
0x7c: {  	[sflag:s8] =	ssyncset.done $0x0  }
0x7d: {  	s11 =	rddreg [dreg:$0xb];
	[sflag:s8] =	ssyncadd.s32 $0xFFFFE700  }
0x7e: {  	[hbm4b:s11+s3] =	stream.linear.scatter [tilespmem:s5], [sflag:$0x7], $0x1900, $0x38;
	v63 =	vld [tilespmem:$0x0]  }
0x7f: {  	s9 =	sadd.s32 $0x380, s11  }
0x80: {  	[hbm4b:s9+s3] =	stream.linear.scatter [tilespmem:s12], [sflag:$0x7], $0x1900, $0x38;
	v63 =	vld [tilespmem:$0x0]  }
0x81: {  	s19 =	sadd.s32 $0x700, s11  }
0x82: {  	[hbm4b:s19+s3] =	stream.linear.scatter [tilespmem:s13], [sflag:$0x7], $0x1900, $0x38;
	v63 =	vld [tilespmem:$0x0]  }
0x83: {  	s21 =	simm.s32 $0x4;
	s20 =	sadd.s32 $0xA80, s11  }
0x84: {  	[hbm4b:s20+s3] =	stream.linear.scatter [tilespmem:s15], [sflag:$0x7], $0x1900, $0x38;
	v63 =	vld [tilespmem:$0x0]  }
0x85: {  	_ =	swait.ge [sflag:s21], $0x1900  }
0x86: {  	[sflag:s21] =	ssyncset.done $0x0  }
0x87: {  	[sflag:s21] =	ssyncadd.s32 $0xFFFFE700  }
0x88: {  	_ =	swait.ge [sflag:s21], $0x1900  }
0x89: {  	p0 =	por $0x0, $0x0;
	[sflag:s21] =	ssyncset.done $0x0  }
0x8a: {  	s0 =	simm.s32 @!p0 $0xA00;
	[sflag:s21] =	ssyncadd.s32 $0xFFFFE700  }
0x8b: {  	s30 =	simm.s32 @!p0 $0xA80;
	s31 =	simm.s32 @!p0 $0xB80;
	_ =	swait.ge [sflag:s21], $0x1900  }
0x8c: {  	s29 =	sadd.s32 $0x3800, s14;
	s10 =	sadd.s32 $0x3800, s10;
	[sflag:s21] =	ssyncset.done $0x0  }
0x8d: {  	s1 =	simm.s32 @p0 $0xB00;
	s7 =	simm.s32 @p0 $0xB80;
	[sflag:s21] =	ssyncadd.s32 $0xFFFFE700  }
0x8e: {  	s6 =	simm.s32 @!p0 $0xB00;
	s8 =	simm.s32 @p0 $0xA80;
	_ =	swait.ge [sflag:s21], $0x1900  }
0x8f: {  	s5 =	sadd.s32 $0x3800, s11;
	s12 =	simm.s32 $0x4000;
	[sflag:s21] =	ssyncset.done $0x0  }
0x90: {  	s9 =	simm.s32 @p0 $0xA00;
	s22 =	rddreg [dreg:$0xa];
	[sflag:s21] =	ssyncadd.s32 $0xFFFFE700  }
0x91: {  	[hbm4b:s22+s3] =	stream.linear.scatter [tilespmem:s16], [sflag:$0x8], $0x1900, $0x38;
	v63 =	vld [tilespmem:$0x0]  }
0x92: {  	p0 =	por p0, p0;
	s13 =	simm.s32 $0x2000;
	s23 =	sadd.s32 $0x380, s22  }
0x93: {  	[hbm4b:s23+s3] =	stream.linear.scatter [tilespmem:s17], [sflag:$0x8], $0x1900, $0x38;
	v63 =	vld [tilespmem:$0x0]  }
0x94: {  	s24 =	sadd.s32 $0x700, s22;
	s14 =	sadd.s32 $0xA80, s22;
	s4 =	sadd.s32 $0x3800, s22  }
0x95: {  	[hbm4b:s24+s3] =	stream.linear.scatter [tilespmem:s18], [sflag:$0x8], $0x1900, $0x38;
	v63 =	vld [tilespmem:$0x0]  }
.LBB2_2:
0x96: {  	[hbm4b:s14+s3] =	stream.linear.scatter [tilespmem:s26], [sflag:$0x8], $0x1900, $0x38;
	v63 =	vld [tilespmem:$0x0]  }
0x97: {  	s14 =	simm.s32 @!p0 $0x5  }
0x98: {  	_ =	swait.ge @!p0 [sflag:s14], $0x6400  }
0x99: {  	[sflag:s14] =	ssyncset.done @!p0 $0x0  }
0x9a: {  	s11 =	simm.s32 $0x4000;
	[sflag:s14] =	ssyncadd.s32 @!p0 $0xFFFF9C00;
	s14 =	sshra.s32 s13, $0x2  }
0x9b: {  	[tilespmem:s11], [sflag:$0x1] =	stream.indirect.gather [hbm4b:s2+s25], $0x80, s14, s25, $0xb8;
	v63 =	vld [tilespmem:$0x0]  }
0x9c: {  	s24 =	simm.s32 $0x5C00;
	s13 =	sadd.s32 $0x80, s14  }
0x9d: {  	[tilespmem:s24], [sflag:$0x1] =	stream.indirect.gather [hbm4b:s2+s25], $0x80, s13, s25, $0xb8;
	v63 =	vld [tilespmem:$0x0]  }
0x9e: {  	s15 =	smov.u32 s12;
	s11 =	sadd.s32 $0x100, s14;
	s24 =	simm.s32 $0x7800  }
0x9f: {  	[tilespmem:s24], [sflag:$0x1] =	stream.indirect.gather [hbm4b:s2+s25], $0x80, s11, s25, $0xb8;
	v63 =	vld [tilespmem:$0x0]  }
0xa0: {  	p2 =	seq.s32 s15, $0x0;
	s11 =	sadd.s32 $0x180, s14  }
0xa1: {  	[tilespmem:s28], [sflag:$0x1] =	stream.indirect.gather [hbm4b:s2+s25], $0x80, s11, s25, $0xb8;
	v63 =	vld [tilespmem:$0x0]  }
0xa2: {  	s16 =	sshra.s32 @p2 s15, $0x2;
	s24 =	simm.s32 @p0 $0xB000;
	s11 =	simm.s32 @p0 $0x32  }
0xa3: {  	[tilespmem:s24], [sflag:$0x2] =	stream.indirect.gather @p0 [hbm4b:s2+s11], $0x80, s9, s11, $0xb8;
	v63 =	vld [tilespmem:$0x0]  }
0xa4: {  	s17 =	sshra.s32 @!p2 s15, $0x2;
	s13 =	smov.u32 s15;
	s15 =	simm.s32 @p0 $0xCC00  }
0xa5: {  	[tilespmem:s15], [sflag:$0x2] =	stream.indirect.gather @p0 [hbm4b:s2+s11], $0x80, s8, s11, $0xb8;
	v63 =	vld [tilespmem:$0x0]  }
0xa6: {  	s18 =	sadd.s32 @p2 $0x200, s16;
	s15 =	simm.s32 @p0 $0xE800  }
0xa7: {  	[tilespmem:s15], [sflag:$0x2] =	stream.indirect.gather @p0 [hbm4b:s2+s11], $0x80, s1, s11, $0xb8;
	v63 =	vld [tilespmem:$0x0]  }
0xa8: {  	s9 =	smov.u32 s18;
	s18 =	simm.s32 @!p0 $0x6;
	s15 =	simm.s32 @p0 $0x10400  }
0xa9: {  	[tilespmem:s15], [sflag:$0x2] =	stream.indirect.gather @p0 [hbm4b:s2+s11], $0x80, s7, s11, $0xb8;
	v63 =	vld [tilespmem:$0x0]  }
0xaa: {  	_ =	swait.ge @!p0 [sflag:s18], $0x6400  }
0xab: {  	s19 =	sadd.s32 @p2 $0x280, s16;
	[sflag:s18] =	ssyncset.done @!p0 $0x0  }
0xac: {  	s11 =	simm.s32 @!p0 $0x32;
	s15 =	simm.s32 @!p0 $0xB000;
	[sflag:s18] =	ssyncadd.s32 @!p0 $0xFFFF9C00  }
0xad: {  	[tilespmem:s15], [sflag:$0x2] =	stream.indirect.gather @!p0 [hbm4b:s2+s11], $0x80, s0, s11, $0xb8;
	v63 =	vld [tilespmem:$0x0]  }
0xae: {  	s20 =	sadd.s32 @p2 $0x300, s16;
	s16 =	sadd.s32 @p2 $0x380, s16;
	s15 =	simm.s32 @!p0 $0xCC00  }
0xaf: {  	[tilespmem:s15], [sflag:$0x2] =	stream.indirect.gather @!p0 [hbm4b:s2+s11], $0x80, s30, s11, $0xb8;
	v63 =	vld [tilespmem:$0x0]  }
0xb0: {  	s21 =	sadd.s32 @!p2 $0x200, s17;
	s22 =	sadd.s32 @!p2 $0x280, s17;
	s15 =	simm.s32 @!p0 $0xE800  }
0xb1: {  	[tilespmem:s15], [sflag:$0x2] =	stream.indirect.gather @!p0 [hbm4b:s2+s11], $0x80, s6, s11, $0xb8;
	v63 =	vld [tilespmem:$0x0]  }
0xb2: {  	s7 =	smov.u32 s16;
	s16 =	simm.s32 @!p0 $0x7;
	s15 =	simm.s32 @!p0 $0x10400  }
0xb3: {  	[tilespmem:s15], [sflag:$0x2] =	stream.indirect.gather @!p0 [hbm4b:s2+s11], $0x80, s31, s11, $0xb8;
	v63 =	vld [tilespmem:$0x0]  }
0xb4: {  	s23 =	sadd.s32 @!p2 $0x300, s17;
	s17 =	sadd.s32 @!p2 $0x380, s17;
	_ =	swait.ge @!p0 [sflag:s16], $0x6400  }
0xb5: {  	s8 =	smov.u32 s19;
	s19 =	sadd.s32 $0x480, s14;
	[sflag:s16] =	ssyncset.done @!p0 $0x0  }
0xb6: {  	s18 =	sadd.s32 $0x400, s14;
	[sflag:s16] =	ssyncadd.s32 @!p0 $0xFFFF9C00;
	s16 =	simm.s32 $0x12000  }
0xb7: {  	[tilespmem:s16], [sflag:$0x3] =	stream.indirect.gather [hbm4b:s2+s25], $0x80, s18, s25, $0xb8;
	v63 =	vld [tilespmem:$0x0]  }
0xb8: {  	s1 =	smov.u32 s20;
	s31 =	smov.u32 s17;
	s17 =	simm.s32 $0x13C00  }
0xb9: {  	[tilespmem:s17], [sflag:$0x3] =	stream.indirect.gather [hbm4b:s2+s25], $0x80, s19, s25, $0xb8;
	v63 =	vld [tilespmem:$0x0]  }
0xba: {  	s20 =	sadd.s32 $0x500, s14;
	s0 =	smov.u32 s21;
	s18 =	simm.s32 $0x15800  }
0xbb: {  	[tilespmem:s18], [sflag:$0x3] =	stream.indirect.gather [hbm4b:s2+s25], $0x80, s20, s25, $0xb8;
	v63 =	vld [tilespmem:$0x0]  }
0xbc: {  	s21 =	sadd.s32 $0x580, s14;
	s15 =	simm.s32 @!p0 $0x8;
	s19 =	simm.s32 $0x17400  }
0xbd: {  	[tilespmem:s19], [sflag:$0x3] =	stream.indirect.gather [hbm4b:s2+s25], $0x80, s21, s25, $0xb8;
	v63 =	vld [tilespmem:$0x0]  }
0xbe: {  	_ =	swait.ge @!p0 [sflag:s15], $0x6400  }
0xbf: {  	s30 =	smov.u32 s22;
	[sflag:s15] =	ssyncset.done @!p0 $0x0  }
0xc0: {  	s22 =	sadd.s32 $0x600, s14;
	s20 =	simm.s32 $0x19000;
	[sflag:s15] =	ssyncadd.s32 @!p0 $0xFFFF9C00  }
0xc1: {  	[tilespmem:s20], [sflag:$0x4] =	stream.indirect.gather [hbm4b:s2+s25], $0x80, s22, s25, $0xb8;
	v63 =	vld [tilespmem:$0x0]  }
0xc2: {  	s6 =	smov.u32 s23;
	s23 =	sadd.s32 $0x680, s14;
	s21 =	simm.s32 $0x1AC00  }
0xc3: {  	[tilespmem:s21], [sflag:$0x4] =	stream.indirect.gather [hbm4b:s2+s25], $0x80, s23, s25, $0xb8;
	v63 =	vld [tilespmem:$0x0]  }
0xc4: {  	s24 =	sadd.s32 $0x700, s14;
	s22 =	simm.s32 $0x1C800  }
0xc5: {  	[tilespmem:s22], [sflag:$0x4] =	stream.indirect.gather [hbm4b:s2+s25], $0x80, s24, s25, $0xb8;
	v63 =	vld [tilespmem:$0x0]  }
0xc6: {  	s15 =	sadd.s32 $0x780, s14;
	s23 =	simm.s32 $0x1  }
0xc7: {  	[tilespmem:s26], [sflag:$0x4] =	stream.indirect.gather [hbm4b:s2+s25], $0x80, s15, s25, $0xb8;
	v63 =	vld [tilespmem:$0x0]  }
0xc8: {  	_ =	swait.ge [sflag:s23], $0x1900  }
0xc9: {  	[sflag:s23] =	ssyncset.done $0x0  }
0xca: {  	[sflag:s23] =	ssyncadd.s32 $0xFFFFE700  }
0xcb: {  	_ =	swait.ge [sflag:s23], $0x1900  }
0xcc: {  	[sflag:s23] =	ssyncset.done $0x0  }
0xcd: {  	[sflag:s23] =	ssyncadd.s32 $0xFFFFE700  }
0xce: {  	_ =	swait.ge [sflag:s23], $0x1900  }
0xcf: {  	[sflag:s23] =	ssyncset.done $0x0  }
0xd0: {  	[sflag:s23] =	ssyncadd.s32 $0xFFFFE700  }
0xd1: {  	_ =	swait.ge [sflag:s23], $0x1900  }
0xd2: {  	[sflag:s23] =	ssyncset.done $0x0  }
0xd3: {  	s24 =	simm.s32 $0x4000;
	[sflag:s23] =	ssyncadd.s32 $0xFFFFE700  }
0xd4: {  	[hbm4b:s29+s3] =	stream.linear.scatter [tilespmem:s24], [sflag:$0x5], $0x1900, $0x38;
	v63 =	vld [tilespmem:$0x0]  }
0xd5: {  	s14 =	sadd.s32 $0x380, s29;
	s15 =	simm.s32 $0x5C00  }
0xd6: {  	[hbm4b:s14+s3] =	stream.linear.scatter [tilespmem:s15], [sflag:$0x5], $0x1900, $0x38;
	v63 =	vld [tilespmem:$0x0]  }
0xd7: {  	s23 =	sadd.s32 $0x700, s29;
	s24 =	simm.s32 $0x7800  }
0xd8: {  	[hbm4b:s23+s3] =	stream.linear.scatter [tilespmem:s24], [sflag:$0x5], $0x1900, $0x38;
	v63 =	vld [tilespmem:$0x0]  }
0xd9: {  	s15 =	sadd.s32 $0xA80, s29;
	s23 =	simm.s32 $0x2  }
0xda: {  	[hbm4b:s15+s3] =	stream.linear.scatter [tilespmem:s28], [sflag:$0x5], $0x1900, $0x38;
	v63 =	vld [tilespmem:$0x0]  }
0xdb: {  	_ =	swait.ge [sflag:s23], $0x1900  }
0xdc: {  	[sflag:s23] =	ssyncset.done $0x0  }
0xdd: {  	[sflag:s23] =	ssyncadd.s32 $0xFFFFE700  }
0xde: {  	_ =	swait.ge [sflag:s23], $0x1900  }
0xdf: {  	[sflag:s23] =	ssyncset.done $0x0  }
0xe0: {  	[sflag:s23] =	ssyncadd.s32 $0xFFFFE700  }
0xe1: {  	_ =	swait.ge [sflag:s23], $0x1900  }
0xe2: {  	[sflag:s23] =	ssyncset.done $0x0  }
0xe3: {  	[sflag:s23] =	ssyncadd.s32 $0xFFFFE700  }
0xe4: {  	_ =	swait.ge [sflag:s23], $0x1900  }
0xe5: {  	[sflag:s23] =	ssyncset.done $0x0  }
0xe6: {  	s24 =	rddreg [dreg:$0x4];
	[sflag:s23] =	ssyncadd.s32 $0xFFFFE700  }
0xe7: {  	[hbm4b:s10+s3] =	stream.linear.scatter [tilespmem:s24], [sflag:$0x6], $0x1900, $0x38;
	v63 =	vld [tilespmem:$0x0]  }
0xe8: {  	s15 =	rddreg [dreg:$0x5];
	s23 =	sadd.s32 $0x380, s10  }
0xe9: {  	[hbm4b:s23+s3] =	stream.linear.scatter [tilespmem:s15], [sflag:$0x6], $0x1900, $0x38;
	v63 =	vld [tilespmem:$0x0]  }
0xea: {  	s14 =	sadd.s32 $0x700, s10;
	s24 =	rddreg [dreg:$0x6]  }
0xeb: {  	[hbm4b:s14+s3] =	stream.linear.scatter [tilespmem:s24], [sflag:$0x6], $0x1900, $0x38;
	v63 =	vld [tilespmem:$0x0]  }
0xec: {  	s23 =	rddreg [dreg:$0x7];
	s15 =	simm.s32 $0x3;
	s24 =	sadd.s32 $0xA80, s10  }
0xed: {  	[hbm4b:s24+s3] =	stream.linear.scatter [tilespmem:s23], [sflag:$0x6], $0x1900, $0x38;
	v63 =	vld [tilespmem:$0x0]  }
0xee: {  	_ =	swait.ge [sflag:s15], $0x1900  }
0xef: {  	[sflag:s15] =	ssyncset.done $0x0  }
0xf0: {  	[sflag:s15] =	ssyncadd.s32 $0xFFFFE700  }
0xf1: {  	_ =	swait.ge [sflag:s15], $0x1900  }
0xf2: {  	[sflag:s15] =	ssyncset.done $0x0  }
0xf3: {  	[sflag:s15] =	ssyncadd.s32 $0xFFFFE700  }
0xf4: {  	_ =	swait.ge [sflag:s15], $0x1900  }
0xf5: {  	[sflag:s15] =	ssyncset.done $0x0  }
0xf6: {  	[sflag:s15] =	ssyncadd.s32 $0xFFFFE700  }
0xf7: {  	_ =	swait.ge [sflag:s15], $0x1900  }
0xf8: {  	[sflag:s15] =	ssyncset.done $0x0  }
0xf9: {  	[sflag:s15] =	ssyncadd.s32 $0xFFFFE700  }
0xfa: {  	[hbm4b:s5+s3] =	stream.linear.scatter [tilespmem:s16], [sflag:$0x7], $0x1900, $0x38;
	v63 =	vld [tilespmem:$0x0]  }
0xfb: {  	s16 =	sadd.s32 $0x380, s5  }
0xfc: {  	[hbm4b:s16+s3] =	stream.linear.scatter [tilespmem:s17], [sflag:$0x7], $0x1900, $0x38;
	v63 =	vld [tilespmem:$0x0]  }
0xfd: {  	s17 =	sadd.s32 $0x700, s5  }
0xfe: {  	[hbm4b:s17+s3] =	stream.linear.scatter [tilespmem:s18], [sflag:$0x7], $0x1900, $0x38;
	v63 =	vld [tilespmem:$0x0]  }
0xff: {  	s18 =	sadd.s32 $0xA80, s5  }
0x100: {  	[hbm4b:s18+s3] =	stream.linear.scatter [tilespmem:s19], [sflag:$0x7], $0x1900, $0x38;
	v63 =	vld [tilespmem:$0x0]  }
0x101: {  	s19 =	simm.s32 $0x4  }
0x102: {  	_ =	swait.ge [sflag:s19], $0x1900  }
0x103: {  	[sflag:s19] =	ssyncset.done $0x0  }
0x104: {  	[sflag:s19] =	ssyncadd.s32 $0xFFFFE700  }
0x105: {  	_ =	swait.ge [sflag:s19], $0x1900  }
0x106: {  	[sflag:s19] =	ssyncset.done $0x0  }
0x107: {  	[sflag:s19] =	ssyncadd.s32 $0xFFFFE700  }
0x108: {  	_ =	swait.ge [sflag:s19], $0x1900  }
0x109: {  	[sflag:s19] =	ssyncset.done $0x0  }
0x10a: {  	[sflag:s19] =	ssyncadd.s32 $0xFFFFE700  }
0x10b: {  	_ =	swait.ge [sflag:s19], $0x1900  }
0x10c: {  	s12 =	sadd.s32 $0x2000, s12;
	[sflag:s19] =	ssyncset.done $0x0  }
0x10d: {  	p1 =	sne.s32 s12, $0x10000;
	[sflag:s19] =	ssyncadd.s32 $0xFFFFE700  }
0x10e: {  	[hbm4b:s4+s3] =	stream.linear.scatter [tilespmem:s20], [sflag:$0x8], $0x1900, $0x38;
	v63 =	vld [tilespmem:$0x0]  }
.Ltmp0:
0x10f: {  	p0 =	por p2, p2;
	s29 =	sadd.s32 $0x3800, s29;
	(pc) =	sbr.rel @p1 .LBB2_2-.Ltmp0, $4  }
0x110: {  	s10 =	sadd.s32 $0x3800, s10;
	s14 =	sadd.s32 $0xA80, s4;
	s23 =	sadd.s32 $0x380, s4  }
0x111: {  	[hbm4b:s23+s3] =	stream.linear.scatter [tilespmem:s21], [sflag:$0x8], $0x1900, $0x38;
	v63 =	vld [tilespmem:$0x0]  }
0x112: {  	s24 =	sadd.s32 $0x700, s4;
	s5 =	sadd.s32 $0x3800, s5;
	s4 =	sadd.s32 $0x3800, s4  }
0x113: {  	[hbm4b:s24+s3] =	stream.linear.scatter [tilespmem:s22], [sflag:$0x8], $0x1900, $0x38;
	v63 =	vld [tilespmem:$0x0]  }
0x114: {  	s21 =	simm.s32 $0x1E400;
	s11 =	simm.s32 @!p0 $0x5  }
0x115: {  	[hbm4b:s14+s3] =	stream.linear.scatter [tilespmem:s21], [sflag:$0x8], $0x1900, $0x38;
	v63 =	vld [tilespmem:$0x0]  }
0x116: {  	_ =	swait.ge @!p0 [sflag:s11], $0x6400  }
0x117: {  	s15 =	simm.s32 $0x4000;
	[sflag:s11] =	ssyncset.done @!p0 $0x0  }
0x118: {  	s14 =	simm.s32 $0x32;
	[sflag:s11] =	ssyncadd.s32 @!p0 $0xFFFF9C00;
	s11 =	sshra.s32 s13, $0x2  }
0x119: {  	[tilespmem:s15], [sflag:$0x1] =	stream.indirect.gather [hbm4b:s2+s14], $0x80, s11, s14, $0xb8;
	v63 =	vld [tilespmem:$0x0]  }
0x11a: {  	s16 =	simm.s32 $0x5C00;
	s12 =	sadd.s32 $0x80, s11  }
0x11b: {  	[tilespmem:s16], [sflag:$0x1] =	stream.indirect.gather [hbm4b:s2+s14], $0x80, s12, s14, $0xb8;
	v63 =	vld [tilespmem:$0x0]  }
0x11c: {  	s17 =	simm.s32 $0x7800;
	s19 =	sadd.s32 $0x100, s11  }
0x11d: {  	[tilespmem:s17], [sflag:$0x1] =	stream.indirect.gather [hbm4b:s2+s14], $0x80, s19, s14, $0xb8;
	v63 =	vld [tilespmem:$0x0]  }
0x11e: {  	s18 =	simm.s32 $0x9400;
	s20 =	sadd.s32 $0x180, s11  }
0x11f: {  	[tilespmem:s18], [sflag:$0x1] =	stream.indirect.gather [hbm4b:s2+s14], $0x80, s20, s14, $0xb8;
	v63 =	vld [tilespmem:$0x0]  }
0x120: {  	s13 =	simm.s32 @p0 $0xB000;
	s12 =	simm.s32 @p0 $0x32  }
0x121: {  	[tilespmem:s13], [sflag:$0x2] =	stream.indirect.gather @p0 [hbm4b:s2+s12], $0x80, s9, s12, $0xb8;
	v63 =	vld [tilespmem:$0x0]  }
0x122: {  	s9 =	simm.s32 @p0 $0xCC00  }
0x123: {  	[tilespmem:s9], [sflag:$0x2] =	stream.indirect.gather @p0 [hbm4b:s2+s12], $0x80, s8, s12, $0xb8;
	v63 =	vld [tilespmem:$0x0]  }
0x124: {  	s8 =	simm.s32 @p0 $0xE800  }
0x125: {  	[tilespmem:s8], [sflag:$0x2] =	stream.indirect.gather @p0 [hbm4b:s2+s12], $0x80, s1, s12, $0xb8;
	v63 =	vld [tilespmem:$0x0]  }
0x126: {  	s1 =	simm.s32 @p0 $0x10400  }
0x127: {  	[tilespmem:s1], [sflag:$0x2] =	stream.indirect.gather @p0 [hbm4b:s2+s12], $0x80, s7, s12, $0xb8;
	v63 =	vld [tilespmem:$0x0]  }
0x128: {  	s1 =	simm.s32 @!p0 $0x6  }
0x129: {  	_ =	swait.ge @!p0 [sflag:s1], $0x6400  }
0x12a: {  	[sflag:s1] =	ssyncset.done @!p0 $0x0  }
0x12b: {  	s7 =	simm.s32 @!p0 $0xB000;
	[sflag:s1] =	ssyncadd.s32 @!p0 $0xFFFF9C00;
	s1 =	simm.s32 @!p0 $0x32  }
0x12c: {  	[tilespmem:s7], [sflag:$0x2] =	stream.indirect.gather @!p0 [hbm4b:s2+s1], $0x80, s0, s1, $0xb8;
	v63 =	vld [tilespmem:$0x0]  }
0x12d: {  	s0 =	simm.s32 @!p0 $0xCC00  }
0x12e: {  	[tilespmem:s0], [sflag:$0x2] =	stream.indirect.gather @!p0 [hbm4b:s2+s1], $0x80, s30, s1, $0xb8;
	v63 =	vld [tilespmem:$0x0]  }
0x12f: {  	s0 =	simm.s32 @!p0 $0xE800  }
0x130: {  	[tilespmem:s0], [sflag:$0x2] =	stream.indirect.gather @!p0 [hbm4b:s2+s1], $0x80, s6, s1, $0xb8;
	v63 =	vld [tilespmem:$0x0]  }
0x131: {  	s0 =	simm.s32 @!p0 $0x10400  }
0x132: {  	[tilespmem:s0], [sflag:$0x2] =	stream.indirect.gather @!p0 [hbm4b:s2+s1], $0x80, s31, s1, $0xb8;
	v63 =	vld [tilespmem:$0x0]  }
0x133: {  	s0 =	simm.s32 @!p0 $0x7  }
0x134: {  	_ =	swait.ge @!p0 [sflag:s0], $0x6400  }
0x135: {  	[sflag:s0] =	ssyncset.done @!p0 $0x0  }
0x136: {  	s22 =	sadd.s32 $0x400, s11;
	s7 =	simm.s32 $0x12000;
	[sflag:s0] =	ssyncadd.s32 @!p0 $0xFFFF9C00  }
0x137: {  	[tilespmem:s7], [sflag:$0x3] =	stream.indirect.gather [hbm4b:s2+s14], $0x80, s22, s14, $0xb8;
	v63 =	vld [tilespmem:$0x0]  }
0x138: {  	s23 =	sadd.s32 $0x480, s11;
	s8 =	simm.s32 $0x13C00  }
0x139: {  	[tilespmem:s8], [sflag:$0x3] =	stream.indirect.gather [hbm4b:s2+s14], $0x80, s23, s14, $0xb8;
	v63 =	vld [tilespmem:$0x0]  }
0x13a: {  	s24 =	sadd.s32 $0x500, s11;
	s9 =	simm.s32 $0x15800  }
0x13b: {  	[tilespmem:s9], [sflag:$0x3] =	stream.indirect.gather [hbm4b:s2+s14], $0x80, s24, s14, $0xb8;
	v63 =	vld [tilespmem:$0x0]  }
0x13c: {  	s12 =	simm.s32 $0x17400;
	s30 =	sadd.s32 $0x580, s11;
	s0 =	simm.s32 @!p0 $0x8  }
0x13d: {  	[tilespmem:s12], [sflag:$0x3] =	stream.indirect.gather [hbm4b:s2+s14], $0x80, s30, s14, $0xb8;
	v63 =	vld [tilespmem:$0x0]  }
0x13e: {  	_ =	swait.ge @!p0 [sflag:s0], $0x6400  }
0x13f: {  	[sflag:s0] =	ssyncset.done @!p0 $0x0  }
0x140: {  	s13 =	simm.s32 $0x19000;
	s31 =	sadd.s32 $0x600, s11;
	[sflag:s0] =	ssyncadd.s32 @!p0 $0xFFFF9C00  }
0x141: {  	[tilespmem:s13], [sflag:$0x4] =	stream.indirect.gather [hbm4b:s2+s14], $0x80, s31, s14, $0xb8;
	v63 =	vld [tilespmem:$0x0]  }
0x142: {  	s19 =	simm.s32 $0x1AC00;
	s1 =	sadd.s32 $0x680, s11  }
0x143: {  	[tilespmem:s19], [sflag:$0x4] =	stream.indirect.gather [hbm4b:s2+s14], $0x80, s1, s14, $0xb8;
	v63 =	vld [tilespmem:$0x0]  }
0x144: {  	s20 =	simm.s32 $0x1C800;
	s6 =	sadd.s32 $0x700, s11  }
0x145: {  	[tilespmem:s20], [sflag:$0x4] =	stream.indirect.gather [hbm4b:s2+s14], $0x80, s6, s14, $0xb8;
	v63 =	vld [tilespmem:$0x0]  }
0x146: {  	s11 =	sadd.s32 $0x780, s11  }
0x147: {  	[tilespmem:s21], [sflag:$0x4] =	stream.indirect.gather [hbm4b:s2+s14], $0x80, s11, s14, $0xb8;
	v63 =	vld [tilespmem:$0x0]  }
0x148: {  	s14 =	simm.s32 $0x1  }
0x149: {  	_ =	swait.ge [sflag:s14], $0x1900  }
0x14a: {  	[sflag:s14] =	ssyncset.done $0x0  }
0x14b: {  	[sflag:s14] =	ssyncadd.s32 $0xFFFFE700  }
0x14c: {  	_ =	swait.ge [sflag:s14], $0x1900  }
0x14d: {  	[sflag:s14] =	ssyncset.done $0x0  }
0x14e: {  	[sflag:s14] =	ssyncadd.s32 $0xFFFFE700  }
0x14f: {  	_ =	swait.ge [sflag:s14], $0x1900  }
0x150: {  	[sflag:s14] =	ssyncset.done $0x0  }
0x151: {  	[sflag:s14] =	ssyncadd.s32 $0xFFFFE700  }
0x152: {  	_ =	swait.ge [sflag:s14], $0x1900  }
0x153: {  	[sflag:s14] =	ssyncset.done $0x0  }
0x154: {  	[sflag:s14] =	ssyncadd.s32 $0xFFFFE700  }
0x155: {  	[hbm4b:s29+s3] =	stream.linear.scatter [tilespmem:s15], [sflag:$0x5], $0x1900, $0x38;
	v63 =	vld [tilespmem:$0x0]  }
0x156: {  	s15 =	sadd.s32 $0x380, s29  }
0x157: {  	[hbm4b:s15+s3] =	stream.linear.scatter [tilespmem:s16], [sflag:$0x5], $0x1900, $0x38;
	v63 =	vld [tilespmem:$0x0]  }
0x158: {  	s16 =	sadd.s32 $0x700, s29  }
0x159: {  	[hbm4b:s16+s3] =	stream.linear.scatter [tilespmem:s17], [sflag:$0x5], $0x1900, $0x38;
	v63 =	vld [tilespmem:$0x0]  }
0x15a: {  	s17 =	sadd.s32 $0xA80, s29  }
0x15b: {  	[hbm4b:s17+s3] =	stream.linear.scatter [tilespmem:s18], [sflag:$0x5], $0x1900, $0x38;
	v63 =	vld [tilespmem:$0x0]  }
0x15c: {  	s18 =	simm.s32 $0x2  }
0x15d: {  	_ =	swait.ge [sflag:s18], $0x1900  }
0x15e: {  	[sflag:s18] =	ssyncset.done $0x0  }
0x15f: {  	[sflag:s18] =	ssyncadd.s32 $0xFFFFE700  }
0x160: {  	_ =	swait.ge [sflag:s18], $0x1900  }
0x161: {  	[sflag:s18] =	ssyncset.done $0x0  }
0x162: {  	[sflag:s18] =	ssyncadd.s32 $0xFFFFE700  }
0x163: {  	_ =	swait.ge [sflag:s18], $0x1900  }
0x164: {  	[sflag:s18] =	ssyncset.done $0x0  }
0x165: {  	[sflag:s18] =	ssyncadd.s32 $0xFFFFE700  }
0x166: {  	_ =	swait.ge [sflag:s18], $0x1900  }
0x167: {  	[sflag:s18] =	ssyncset.done $0x0  }
0x168: {  	s22 =	rddreg [dreg:$0x4];
	[sflag:s18] =	ssyncadd.s32 $0xFFFFE700  }
0x169: {  	[hbm4b:s10+s3] =	stream.linear.scatter [tilespmem:s22], [sflag:$0x6], $0x1900, $0x38;
	v63 =	vld [tilespmem:$0x0]  }
0x16a: {  	s24 =	sadd.s32 $0x380, s10;
	s23 =	rddreg [dreg:$0x5]  }
0x16b: {  	[hbm4b:s24+s3] =	stream.linear.scatter [tilespmem:s23], [sflag:$0x6], $0x1900, $0x38;
	v63 =	vld [tilespmem:$0x0]  }
0x16c: {  	s30 =	sadd.s32 $0x700, s10;
	s29 =	rddreg [dreg:$0x6]  }
0x16d: {  	[hbm4b:s30+s3] =	stream.linear.scatter [tilespmem:s29], [sflag:$0x6], $0x1900, $0x38;
	v63 =	vld [tilespmem:$0x0]  }
0x16e: {  	s11 =	simm.s32 $0x3;
	s31 =	rddreg [dreg:$0x7];
	s10 =	sadd.s32 $0xA80, s10  }
0x16f: {  	[hbm4b:s10+s3] =	stream.linear.scatter [tilespmem:s31], [sflag:$0x6], $0x1900, $0x38;
	v63 =	vld [tilespmem:$0x0]  }
0x170: {  	_ =	swait.ge [sflag:s11], $0x1900  }
0x171: {  	[sflag:s11] =	ssyncset.done $0x0  }
0x172: {  	[sflag:s11] =	ssyncadd.s32 $0xFFFFE700  }
0x173: {  	_ =	swait.ge [sflag:s11], $0x1900  }
0x174: {  	[sflag:s11] =	ssyncset.done $0x0  }
0x175: {  	[sflag:s11] =	ssyncadd.s32 $0xFFFFE700  }
0x176: {  	_ =	swait.ge [sflag:s11], $0x1900  }
0x177: {  	[sflag:s11] =	ssyncset.done $0x0  }
0x178: {  	[sflag:s11] =	ssyncadd.s32 $0xFFFFE700  }
0x179: {  	_ =	swait.ge [sflag:s11], $0x1900  }
0x17a: {  	[sflag:s11] =	ssyncset.done $0x0  }
0x17b: {  	[sflag:s11] =	ssyncadd.s32 $0xFFFFE700  }
0x17c: {  	[hbm4b:s5+s3] =	stream.linear.scatter [tilespmem:s7], [sflag:$0x7], $0x1900, $0x38;
	v63 =	vld [tilespmem:$0x0]  }
0x17d: {  	s14 =	sadd.s32 $0x380, s5  }
0x17e: {  	[hbm4b:s14+s3] =	stream.linear.scatter [tilespmem:s8], [sflag:$0x7], $0x1900, $0x38;
	v63 =	vld [tilespmem:$0x0]  }
0x17f: {  	s15 =	sadd.s32 $0x700, s5  }
0x180: {  	[hbm4b:s15+s3] =	stream.linear.scatter [tilespmem:s9], [sflag:$0x7], $0x1900, $0x38;
	v63 =	vld [tilespmem:$0x0]  }
0x181: {  	s16 =	sadd.s32 $0xA80, s5;
	s17 =	simm.s32 $0x4  }
0x182: {  	[hbm4b:s16+s3] =	stream.linear.scatter [tilespmem:s12], [sflag:$0x7], $0x1900, $0x38;
	v63 =	vld [tilespmem:$0x0]  }
0x183: {  	_ =	swait.ge [sflag:s17], $0x1900  }
0x184: {  	[sflag:s17] =	ssyncset.done $0x0  }
0x185: {  	[sflag:s17] =	ssyncadd.s32 $0xFFFFE700  }
0x186: {  	_ =	swait.ge [sflag:s17], $0x1900  }
0x187: {  	[sflag:s17] =	ssyncset.done $0x0  }
0x188: {  	[sflag:s17] =	ssyncadd.s32 $0xFFFFE700  }
0x189: {  	_ =	swait.ge [sflag:s17], $0x1900  }
0x18a: {  	[sflag:s17] =	ssyncset.done $0x0  }
0x18b: {  	[sflag:s17] =	ssyncadd.s32 $0xFFFFE700  }
0x18c: {  	_ =	swait.ge [sflag:s17], $0x1900  }
0x18d: {  	[sflag:s17] =	ssyncset.done $0x0  }
0x18e: {  	[sflag:s17] =	ssyncadd.s32 $0xFFFFE700  }
0x18f: {  	[hbm4b:s4+s3] =	stream.linear.scatter [tilespmem:s13], [sflag:$0x8], $0x1900, $0x38;
	v63 =	vld [tilespmem:$0x0]  }
0x190: {  	s18 =	sadd.s32 $0x380, s4  }
0x191: {  	[hbm4b:s18+s3] =	stream.linear.scatter [tilespmem:s19], [sflag:$0x8], $0x1900, $0x38;
	v63 =	vld [tilespmem:$0x0]  }
0x192: {  	s19 =	sadd.s32 $0x700, s4  }
0x193: {  	[hbm4b:s19+s3] =	stream.linear.scatter [tilespmem:s20], [sflag:$0x8], $0x1900, $0x38;
	v63 =	vld [tilespmem:$0x0]  }
0x194: {  	s22 =	simm.s32 $0x5;
	s20 =	sadd.s32 $0xA80, s4  }
0x195: {  	[hbm4b:s20+s3] =	stream.linear.scatter [tilespmem:s21], [sflag:$0x8], $0x1900, $0x38;
	v63 =	vld [tilespmem:$0x0]  }
0x196: {  	_ =	swait.ge [sflag:s22], $0x6400  }
0x197: {  	[sflag:s22] =	ssyncset.done $0x0  }
0x198: {  	s23 =	simm.s32 $0x6;
	[sflag:s22] =	ssyncadd.s32 $0xFFFF9C00  }
0x199: {  	_ =	swait.ge [sflag:s23], $0x6400  }
0x19a: {  	[sflag:s23] =	ssyncset.done $0x0  }
0x19b: {  	s24 =	simm.s32 $0x7;
	[sflag:s23] =	ssyncadd.s32 $0xFFFF9C00  }
0x19c: {  	_ =	swait.ge [sflag:s24], $0x6400  }
0x19d: {  	[sflag:s24] =	ssyncset.done $0x0  }
0x19e: {  	s29 =	simm.s32 $0x8;
	[sflag:s24] =	ssyncadd.s32 $0xFFFF9C00  }
0x19f: {  	_ =	swait.ge [sflag:s29], $0x6400  }
0x1a0: {  	s30 =	rddreg [dreg:$0xe]  }
0x1a1: {  	s31 =	rddreg [dreg:$0x9];
	s4 =	sadd.s32 $0x1, s30  }
0x1a2: {  	p0 =	sne.s32 s4, s31  }
.Ltmp1:
0x1a3: {  	_ = 	snop;
	(pc) =	sbr.rel @p0 .LBB2_1-.Ltmp1, $3  }
0x1a4: {  	_ =	sdelay $0x1  }
0x1a5: {  	[sflag:s29] =	ssyncset.done $0x0  }
0x1a6: {  	s11 =	simm.s32 $0x1E400;
	[sflag:s29] =	ssyncadd.s32 $0xFFFF9C00  }
0x1a7: {  	_ =	sfence.sel $0x180000  }
0x1a8: {  	[bflag:$0x0] =	sbarrier.arrive $0xFFFF  }
0x1a9: {  	_ =	strace $0x90000047  }
0x1aa: {  	s0 =	stileid.u32;
	[bflag:$0x2] =	sbarrier.arrive $0xFFFF  }
0x1ab: {  	p0 =	sne.s32 s0, $0x0;
	s0 =	rddreg [dreg:$0x3]  }
0x1ac: {  	s0 =	sadd.s32 @!p0 $0x100000, s0  }
0x1ad: {  	[sflag:s0] =	ssyncadd.tile.s32 @!p0 $0x1;
	_ =	shalt  }
.Lfunc_end2:
_tile_overlayer_lowered:
.L_overlay_start_2:
0x1ae: {  	(tag) =	ssettag $0x2  }
0x1af: {  	s0 =	rddreg [dreg:$0x0];
	s2 =	stileid.u32  }
0x1b0: {  	s1 =	rddreg [dreg:$0x1];
	p0 =	sne.s32 s2, $0x0  }
0x1b1: {  	s3 =	rddreg [dreg:$0x2];
	[bflag:$0x3] =	sbarrier.arrive $0xFFFF;
	s2 =	simm.s32 @!p0 $0x1C09  }
0x1b2: {  	[timem:s3], [sflag:s2] =	dma.local @!p0 [hbm:s0], s1  }
0x1b3: {  	s0 =	simm.s32 @!p0 $0x9  }
0x1b4: {  	_ =	swait.ge @!p0 [sflag:s0], s1  }
0x1b5: {  	s1 =	ssub.s32 @!p0 $0x0, s1;
	[sflag:s0] =	ssyncset.done @!p0 $0x0  }
0x1b6: {  	[sflag:s0] =	ssyncadd.s32 @!p0 s1  }
0x1b7: {  	[bflag:$0x3] =	sbarrier.arrive $0xFFFF  }
0x1b8: {  	_ =	shalt  }

</sc_bundles>
